<compile_context>
chip_gen: v7x
topology: tpu7x:2x2x1
jax: 0.10.2.dev20260603
libtpu: 0.0.44.dev20260713+nightly
codegen_flags: <defaults>
</compile_context>

<pallas_src>
import functools

import jax
import jax.numpy as jnp
import numpy as np
from jax import lax
from jax.experimental import pallas as pl
from jax.experimental.pallas import tpu as pltpu
from jax.experimental.pallas import tpu_sc as plsc

_N = 20000
_NC, _NS = 2, 16
_LW = 640

_HALF_PI = np.float32(np.pi / 2.0)


def _broadcast_lane(buf, i):
    return plsc.load_gather(buf, [jnp.full((16,), i, dtype=jnp.int32)])


_mesh = plsc.VectorSubcoreMesh(core_axis_name="c", subcore_axis_name="s")


@functools.partial(
    pl.kernel,
    out_type=[
        jax.ShapeDtypeStruct((7, _N), jnp.float32),
        jax.ShapeDtypeStruct((4, _N), jnp.float32),
        jax.ShapeDtypeStruct((7, _N), jnp.float32),
        jax.ShapeDtypeStruct((4, _N), jnp.float32),
    ],
    mesh=_mesh,
    compiler_params=pltpu.CompilerParams(needs_layout_passes=False),
    scratch_types=[
        pltpu.VMEM((16,), jnp.float32),
        pltpu.VMEM((16,), jnp.float32),
        pltpu.VMEM((7, 2 * _LW), jnp.float32),
        pltpu.VMEM((4, 2 * _LW), jnp.float32),
        pltpu.VMEM((2 * _LW,), jnp.float32),
        pltpu.VMEM((2, 2 * _LW), jnp.float32),
        pltpu.VMEM((7, 2 * _LW), jnp.float32),
        pltpu.VMEM((4, 2 * _LW), jnp.float32),
        pltpu.SemaphoreType.DMA,
        pltpu.SemaphoreType.DMA,
        pltpu.SemaphoreType.DMA,
    ],
)
def _sc_fwd(pb1, ps1, po1, g1, pb2, ps2, po2, g2, orients, dims,
            ob1, os1, ob2, os2,
            c_vm, d_vm, pb_v, ps_v, po_v, g_v, tb_v, so_v,
            semi1, semi2, semo):
    wid = lax.axis_index("s") * _NC + lax.axis_index("c")
    l0 = 128 * jnp.minimum(5 * wid, 152)

    heads = ((pb1, ps1, po1, g1, ob1, os1), (pb2, ps2, po2, g2, ob2, os2))
    sems = (semi1, semi2)
    in_cps = []
    for h, (pbh, psh, poh, gh, _, _) in enumerate(heads):
        o = h * _LW
        in_cps.append([
            pltpu.async_copy(pbh.at[:, pl.ds(l0, _LW)], pb_v.at[:, pl.ds(o, _LW)], sems[h]),
            pltpu.async_copy(psh.at[:, pl.ds(l0, _LW)], ps_v.at[:, pl.ds(o, _LW)], sems[h]),
            pltpu.async_copy(poh.at[pl.ds(l0, _LW)], po_v.at[pl.ds(o, _LW)], sems[h]),
            pltpu.async_copy(gh.at[:, pl.ds(l0, _LW)], g_v.at[:, pl.ds(o, _LW)], sems[h]),
        ])

    pltpu.sync_copy(orients, c_vm.at[pl.ds(8, 2)])
    pltpu.sync_copy(dims, d_vm.at[pl.ds(8, 3)])
    d0 = _broadcast_lane(d_vm, 8)
    d1 = _broadcast_lane(d_vm, 9)
    d2 = _broadcast_lane(d_vm, 10)
    orients_v = (_broadcast_lane(c_vm, 8), _broadcast_lane(c_vm, 9))

    def group(s, orient_v):
        po_l = po_v[pl.ds(s, 16)]
        mk = jnp.where(po_l >= 0.9, 1.0, 0.0).astype(jnp.float32)
        x0 = pb_v[0, pl.ds(s, 16)]
        s0 = 1.0 / (1.0 + jnp.exp(-x0))
        tb_v[0, pl.ds(s, 16)] = (orient_v + s0 * _HALF_PI) * mk
        for c in (1, 2):
            x = pb_v[c, pl.ds(s, 16)]
            gv = g_v[c - 1, pl.ds(s, 16)]
            sg = 1.0 / (1.0 + jnp.exp(-x))
            tb_v[c, pl.ds(s, 16)] = (sg + gv + 0.5) * mk
        x3 = pb_v[3, pl.ds(s, 16)]
        s3 = 1.0 / (1.0 + jnp.exp(-x3))
        tb_v[3, pl.ds(s, 16)] = s3 * mk
        for c, dv in ((4, d0), (5, d1), (6, d2)):
            x = pb_v[c, pl.ds(s, 16)]
            tb_v[c, pl.ds(s, 16)] = dv * jnp.exp(x) * mk
        for c in range(4):
            so_v[c, pl.ds(s, 16)] = ps_v[c, pl.ds(s, 16)] * mk

    out_cps = []
    for h, (_, _, _, _, obh, osh) in enumerate(heads):
        for cp in in_cps[h]:
            cp.wait()
        o = h * _LW

        @plsc.parallel_loop(o, o + _LW, step=16, unroll=2)
        def body(s, _o=orients_v[h]):
            group(s, _o)

        out_cps += [
            pltpu.async_copy(tb_v.at[:, pl.ds(o, _LW)], obh.at[:, pl.ds(l0, _LW)], semo),
            pltpu.async_copy(so_v.at[:, pl.ds(o, _LW)], osh.at[:, pl.ds(l0, _LW)], semo),
        ]
    for cp in out_cps:
        cp.wait()


def kernel(pred_bboxes1, pred_class_scores1, pred_objectness1, pred_bboxes_grid1,
           pred_bboxes2, pred_class_scores2, pred_objectness2, pred_bboxes_grid2,
           anchor_orients, anchor_dims):
    ob1, os1, ob2, os2 = _sc_fwd(
        pred_bboxes1.T, pred_class_scores1.T, pred_objectness1, pred_bboxes_grid1.T,
        pred_bboxes2.T, pred_class_scores2.T, pred_objectness2, pred_bboxes_grid2.T,
        anchor_orients, anchor_dims,
    )
    return (ob1.T, os1.T, ob2.T, os2.T)

# --- scband reference (transcript-rebuilt; emitter-appended) ---
"""Pipeline reference for scband-not-enough-sleep-aimodel-90735479095437 (READ-ONLY COPY).

The authoritative reference and input builder live on the scoring server;
editing this copy changes nothing except your own understanding.
"""

import jax, jax.numpy as jnp
import numpy as np

N = 20000
NUM_CLASSES = 4


def setup_inputs(seed: int = 0) -> dict:
    key = jax.random.key(seed)
    ks = jax.random.split(key, 10)
    inp = {
        "pred_bboxes1": jax.random.normal(ks[0], (N, 7), dtype=jnp.float32),
        "pred_class_scores1": jax.random.normal(ks[1], (N, NUM_CLASSES), dtype=jnp.float32),
        "pred_objectness1": jax.random.uniform(ks[2], (N,), dtype=jnp.float32),
        "pred_bboxes_grid1": jax.random.uniform(ks[3], (N, 2), dtype=jnp.float32) * 200.0,
        "pred_bboxes2": jax.random.normal(ks[4], (N, 7), dtype=jnp.float32),
        "pred_class_scores2": jax.random.normal(ks[5], (N, NUM_CLASSES), dtype=jnp.float32),
        "pred_objectness2": jax.random.uniform(ks[6], (N,), dtype=jnp.float32),
        "pred_bboxes_grid2": jax.random.uniform(ks[7], (N, 2), dtype=jnp.float32) * 200.0,
        "anchor_orients": jax.random.uniform(ks[8], (2,), dtype=jnp.float32) * np.pi,
        "anchor_dims": jnp.array([1.6, 3.9, 1.56], dtype=jnp.float32),
    }
    return inp


def _transform_bboxes(p, grid, orient, anchor_dims):
    # faithful to transformBBoxes (project stub omitted: projectBBoxesToBev is `pass`)
    g = grid + 0.5
    c0 = orient + jax.nn.sigmoid(p[:, 0:1]) * (np.pi / 2.0)
    c13 = jax.nn.sigmoid(p[:, 1:3]) + g
    c3 = jax.nn.sigmoid(p[:, 3:4])
    c47 = anchor_dims[None, :] * jnp.exp(p[:, 4:7])
    return jnp.concatenate([c0, c13, c3, c47], axis=1)


def reference(pred_bboxes1, pred_class_scores1, pred_objectness1, pred_bboxes_grid1,
              pred_bboxes2, pred_class_scores2, pred_objectness2, pred_bboxes_grid2,
              anchor_orients, anchor_dims):
    threshold = 0.9

    def head(pb, ps, po, grid, orient):
        # NMS: objectness thresholding; realized as a static-shape mask
        # (dynamic boolean gather replaced by multiplicative mask for jit/vjp stability)
        mask = (po >= threshold).astype(pb.dtype)
        tb = _transform_bboxes(pb, grid, orient, anchor_dims)
        return tb * mask[:, None], ps * mask[:, None]

    b1, s1 = head(pred_bboxes1, pred_class_scores1, pred_objectness1, pred_bboxes_grid1, anchor_orients[0])
    b2, s2 = head(pred_bboxes2, pred_class_scores2, pred_objectness2, pred_bboxes_grid2, anchor_orients[1])
    return (b1, s1, b2, s2)

if __name__ == "__main__":
    import jax
    _d = setup_inputs()
    print(jax.jit(kernel)(*tuple(_d.values())))

</pallas_src>

<mosaic_0001>
#map = affine_map<(d0, d1) -> (0, 0)>
#map1 = affine_map<(d0, d1) -> (0)>
module attributes {stable_mosaic.version = 14 : i64} {
  func.func @_sc_fwd(%arg0: i32, %arg1: i32, %arg2: memref<7x20000xf32, #tpu.memory_space<hbm>>, %arg3: memref<4x20000xf32, #tpu.memory_space<hbm>>, %arg4: memref<20000xf32, #tpu.memory_space<hbm>>, %arg5: memref<2x20000xf32, #tpu.memory_space<hbm>>, %arg6: memref<7x20000xf32, #tpu.memory_space<hbm>>, %arg7: memref<4x20000xf32, #tpu.memory_space<hbm>>, %arg8: memref<20000xf32, #tpu.memory_space<hbm>>, %arg9: memref<2x20000xf32, #tpu.memory_space<hbm>>, %arg10: memref<2xf32, #tpu.memory_space<hbm>>, %arg11: memref<3xf32, #tpu.memory_space<hbm>>, %arg12: memref<7x20000xf32, #tpu.memory_space<hbm>>, %arg13: memref<4x20000xf32, #tpu.memory_space<hbm>>, %arg14: memref<7x20000xf32, #tpu.memory_space<hbm>>, %arg15: memref<4x20000xf32, #tpu.memory_space<hbm>>, %arg16: memref<16xf32, #tpu.memory_space<vmem>>, %arg17: memref<16xf32, #tpu.memory_space<vmem>>, %arg18: memref<7x1280xf32, #tpu.memory_space<vmem>>, %arg19: memref<4x1280xf32, #tpu.memory_space<vmem>>, %arg20: memref<1280xf32, #tpu.memory_space<vmem>>, %arg21: memref<2x1280xf32, #tpu.memory_space<vmem>>, %arg22: memref<7x1280xf32, #tpu.memory_space<vmem>>, %arg23: memref<4x1280xf32, #tpu.memory_space<vmem>>, %arg24: memref<!tpu.dma_semaphore, #tpu.memory_space<semaphore_mem>>, %arg25: memref<!tpu.dma_semaphore, #tpu.memory_space<semaphore_mem>>, %arg26: memref<!tpu.dma_semaphore, #tpu.memory_space<semaphore_mem>>) attributes {dimension_semantics = [#tpu.dimension_semantics<core_parallel>, #tpu.dimension_semantics<subcore_parallel>], iteration_bounds = array<i64: 2, 16>, scalar_prefetch = 0 : i64, scratch_operands = 11 : i64, tpu.core_type = #tpu.core_type<sc_vector_subcore>, window_params = [{transform_indices = #map}, {transform_indices = #map}, {transform_indices = #map1}, {transform_indices = #map}, {transform_indices = #map}, {transform_indices = #map}, {transform_indices = #map1}, {transform_indices = #map}, {transform_indices = #map1}, {transform_indices = #map1}, {transform_indices = #map}, {transform_indices = #map}, {transform_indices = #map}, {transform_indices = #map}]} {
    %mul3A = arith.constant 2 : i32
    %mul3A_0 = arith.muli %arg1, %mul3A : i32
    %add3A = arith.addi %mul3A_0, %arg0 : i32
    %mul3A_1 = arith.constant 5 : i32
    %mul3A_2 = arith.muli %mul3A_1, %add3A : i32
    %min3A = arith.constant 152 : i32
    %min3A_3 = arith.minsi %mul3A_2, %min3A : i32
    %mul3A_4 = arith.constant 128 : i32
    %mul3A_5 = arith.muli %mul3A_4, %min3A_3 : i32
    %dma_start3A = arith.constant 0 : i32
    %dma_start3A_6 = arith.constant 0 : i32
    %dma_start3A_7 = tpu.memref_slice %arg18[%dma_start3A, %dma_start3A_6] : memref<7x1280xf32, #tpu.memory_space<vmem>> -> memref<7x640xf32, #tpu.memory_space<vmem>>
    %dma_start3A_8 = arith.constant 0 : i32
    %dma_start3A_9 = tpu.memref_slice %arg2[%dma_start3A_8, %mul3A_5] : memref<7x20000xf32, #tpu.memory_space<hbm>> -> memref<7x640xf32, #tpu.memory_space<hbm>>
    %dma_start3A_10 = arith.constant 0 : i32
    %dma_start3A_11 = arith.constant 0 : i32
    %dma_start3A_12 = tpu.memref_slice %arg18[%dma_start3A_10, %dma_start3A_11] : memref<7x1280xf32, #tpu.memory_space<vmem>> -> memref<7x640xf32, #tpu.memory_space<vmem>>
    %dma_start3A_13 = arith.constant 0 : i32
    %dma_start3A_14 = tpu.memref_slice %arg2[%dma_start3A_13, %mul3A_5] : memref<7x20000xf32, #tpu.memory_space<hbm>> -> memref<7x640xf32, #tpu.memory_space<hbm>>
    tpu.enqueue_dma source(%dma_start3A_14 : memref<7x640xf32, #tpu.memory_space<hbm>>) target(%dma_start3A_12 : memref<7x640xf32, #tpu.memory_space<vmem>>) target_semaphore(%arg24 : memref<!tpu.dma_semaphore, #tpu.memory_space<semaphore_mem>>)
    %dma_start3A_15 = arith.constant 0 : i32
    %dma_start3A_16 = arith.constant 0 : i32
    %dma_start3A_17 = tpu.memref_slice %arg19[%dma_start3A_15, %dma_start3A_16] : memref<4x1280xf32, #tpu.memory_space<vmem>> -> memref<4x640xf32, #tpu.memory_space<vmem>>
    %dma_start3A_18 = arith.constant 0 : i32
    %dma_start3A_19 = tpu.memref_slice %arg3[%dma_start3A_18, %mul3A_5] : memref<4x20000xf32, #tpu.memory_space<hbm>> -> memref<4x640xf32, #tpu.memory_space<hbm>>
    %dma_start3A_20 = arith.constant 0 : i32
    %dma_start3A_21 = arith.constant 0 : i32
    %dma_start3A_22 = tpu.memref_slice %arg19[%dma_start3A_20, %dma_start3A_21] : memref<4x1280xf32, #tpu.memory_space<vmem>> -> memref<4x640xf32, #tpu.memory_space<vmem>>
    %dma_start3A_23 = arith.constant 0 : i32
    %dma_start3A_24 = tpu.memref_slice %arg3[%dma_start3A_23, %mul3A_5] : memref<4x20000xf32, #tpu.memory_space<hbm>> -> memref<4x640xf32, #tpu.memory_space<hbm>>
    tpu.enqueue_dma source(%dma_start3A_24 : memref<4x640xf32, #tpu.memory_space<hbm>>) target(%dma_start3A_22 : memref<4x640xf32, #tpu.memory_space<vmem>>) target_semaphore(%arg24 : memref<!tpu.dma_semaphore, #tpu.memory_space<semaphore_mem>>)
    %dma_start3A_25 = arith.constant 0 : i32
    %dma_start3A_26 = tpu.memref_slice %arg20[%dma_start3A_25] : memref<1280xf32, #tpu.memory_space<vmem>> -> memref<640xf32, #tpu.memory_space<vmem>>
    %dma_start3A_27 = tpu.memref_slice %arg4[%mul3A_5] : memref<20000xf32, #tpu.memory_space<hbm>> -> memref<640xf32, #tpu.memory_space<hbm>>
    %dma_start3A_28 = arith.constant 0 : i32
    %dma_start3A_29 = tpu.memref_slice %arg20[%dma_start3A_28] : memref<1280xf32, #tpu.memory_space<vmem>> -> memref<640xf32, #tpu.memory_space<vmem>>
    %dma_start3A_30 = tpu.memref_slice %arg4[%mul3A_5] : memref<20000xf32, #tpu.memory_space<hbm>> -> memref<640xf32, #tpu.memory_space<hbm>>
    tpu.enqueue_dma source(%dma_start3A_30 : memref<640xf32, #tpu.memory_space<hbm>>) target(%dma_start3A_29 : memref<640xf32, #tpu.memory_space<vmem>>) target_semaphore(%arg24 : memref<!tpu.dma_semaphore, #tpu.memory_space<semaphore_mem>>)
    %dma_start3A_31 = arith.constant 0 : i32
    %dma_start3A_32 = arith.constant 0 : i32
    %dma_start3A_33 = tpu.memref_slice %arg21[%dma_start3A_31, %dma_start3A_32] : memref<2x1280xf32, #tpu.memory_space<vmem>> -> memref<2x640xf32, #tpu.memory_space<vmem>>
    %dma_start3A_34 = arith.constant 0 : i32
    %dma_start3A_35 = tpu.memref_slice %arg5[%dma_start3A_34, %mul3A_5] : memref<2x20000xf32, #tpu.memory_space<hbm>> -> memref<2x640xf32, #tpu.memory_space<hbm>>
    %dma_start3A_36 = arith.constant 0 : i32
    %dma_start3A_37 = arith.constant 0 : i32
    %dma_start3A_38 = tpu.memref_slice %arg21[%dma_start3A_36, %dma_start3A_37] : memref<2x1280xf32, #tpu.memory_space<vmem>> -> memref<2x640xf32, #tpu.memory_space<vmem>>
    %dma_start3A_39 = arith.constant 0 : i32
    %dma_start3A_40 = tpu.memref_slice %arg5[%dma_start3A_39, %mul3A_5] : memref<2x20000xf32, #tpu.memory_space<hbm>> -> memref<2x640xf32, #tpu.memory_space<hbm>>
    tpu.enqueue_dma source(%dma_start3A_40 : memref<2x640xf32, #tpu.memory_space<hbm>>) target(%dma_start3A_38 : memref<2x640xf32, #tpu.memory_space<vmem>>) target_semaphore(%arg24 : memref<!tpu.dma_semaphore, #tpu.memory_space<semaphore_mem>>)
    %dma_start3A_41 = arith.constant 0 : i32
    %dma_start3A_42 = arith.constant 640 : i32
    %dma_start3A_43 = tpu.memref_slice %arg18[%dma_start3A_41, %dma_start3A_42] : memref<7x1280xf32, #tpu.memory_space<vmem>> -> memref<7x640xf32, #tpu.memory_space<vmem>>
    %dma_start3A_44 = arith.constant 0 : i32
    %dma_start3A_45 = tpu.memref_slice %arg6[%dma_start3A_44, %mul3A_5] : memref<7x20000xf32, #tpu.memory_space<hbm>> -> memref<7x640xf32, #tpu.memory_space<hbm>>
    %dma_start3A_46 = arith.constant 0 : i32
    %dma_start3A_47 = arith.constant 640 : i32
    %dma_start3A_48 = tpu.memref_slice %arg18[%dma_start3A_46, %dma_start3A_47] : memref<7x1280xf32, #tpu.memory_space<vmem>> -> memref<7x640xf32, #tpu.memory_space<vmem>>
    %dma_start3A_49 = arith.constant 0 : i32
    %dma_start3A_50 = tpu.memref_slice %arg6[%dma_start3A_49, %mul3A_5] : memref<7x20000xf32, #tpu.memory_space<hbm>> -> memref<7x640xf32, #tpu.memory_space<hbm>>
    tpu.enqueue_dma source(%dma_start3A_50 : memref<7x640xf32, #tpu.memory_space<hbm>>) target(%dma_start3A_48 : memref<7x640xf32, #tpu.memory_space<vmem>>) target_semaphore(%arg25 : memref<!tpu.dma_semaphore, #tpu.memory_space<semaphore_mem>>)
    %dma_start3A_51 = arith.constant 0 : i32
    %dma_start3A_52 = arith.constant 640 : i32
    %dma_start3A_53 = tpu.memref_slice %arg19[%dma_start3A_51, %dma_start3A_52] : memref<4x1280xf32, #tpu.memory_space<vmem>> -> memref<4x640xf32, #tpu.memory_space<vmem>>
    %dma_start3A_54 = arith.constant 0 : i32
    %dma_start3A_55 = tpu.memref_slice %arg7[%dma_start3A_54, %mul3A_5] : memref<4x20000xf32, #tpu.memory_space<hbm>> -> memref<4x640xf32, #tpu.memory_space<hbm>>
    %dma_start3A_56 = arith.constant 0 : i32
    %dma_start3A_57 = arith.constant 640 : i32
    %dma_start3A_58 = tpu.memref_slice %arg19[%dma_start3A_56, %dma_start3A_57] : memref<4x1280xf32, #tpu.memory_space<vmem>> -> memref<4x640xf32, #tpu.memory_space<vmem>>
    %dma_start3A_59 = arith.constant 0 : i32
    %dma_start3A_60 = tpu.memref_slice %arg7[%dma_start3A_59, %mul3A_5] : memref<4x20000xf32, #tpu.memory_space<hbm>> -> memref<4x640xf32, #tpu.memory_space<hbm>>
    tpu.enqueue_dma source(%dma_start3A_60 : memref<4x640xf32, #tpu.memory_space<hbm>>) target(%dma_start3A_58 : memref<4x640xf32, #tpu.memory_space<vmem>>) target_semaphore(%arg25 : memref<!tpu.dma_semaphore, #tpu.memory_space<semaphore_mem>>)
    %dma_start3A_61 = arith.constant 640 : i32
    %dma_start3A_62 = tpu.memref_slice %arg20[%dma_start3A_61] : memref<1280xf32, #tpu.memory_space<vmem>> -> memref<640xf32, #tpu.memory_space<vmem>>
    %dma_start3A_63 = tpu.memref_slice %arg8[%mul3A_5] : memref<20000xf32, #tpu.memory_space<hbm>> -> memref<640xf32, #tpu.memory_space<hbm>>
    %dma_start3A_64 = arith.constant 640 : i32
    %dma_start3A_65 = tpu.memref_slice %arg20[%dma_start3A_64] : memref<1280xf32, #tpu.memory_space<vmem>> -> memref<640xf32, #tpu.memory_space<vmem>>
    %dma_start3A_66 = tpu.memref_slice %arg8[%mul3A_5] : memref<20000xf32, #tpu.memory_space<hbm>> -> memref<640xf32, #tpu.memory_space<hbm>>
    tpu.enqueue_dma source(%dma_start3A_66 : memref<640xf32, #tpu.memory_space<hbm>>) target(%dma_start3A_65 : memref<640xf32, #tpu.memory_space<vmem>>) target_semaphore(%arg25 : memref<!tpu.dma_semaphore, #tpu.memory_space<semaphore_mem>>)
    %dma_start3A_67 = arith.constant 0 : i32
    %dma_start3A_68 = arith.constant 640 : i32
    %dma_start3A_69 = tpu.memref_slice %arg21[%dma_start3A_67, %dma_start3A_68] : memref<2x1280xf32, #tpu.memory_space<vmem>> -> memref<2x640xf32, #tpu.memory_space<vmem>>
    %dma_start3A_70 = arith.constant 0 : i32
    %dma_start3A_71 = tpu.memref_slice %arg9[%dma_start3A_70, %mul3A_5] : memref<2x20000xf32, #tpu.memory_space<hbm>> -> memref<2x640xf32, #tpu.memory_space<hbm>>
    %dma_start3A_72 = arith.constant 0 : i32
    %dma_start3A_73 = arith.constant 640 : i32
    %dma_start3A_74 = tpu.memref_slice %arg21[%dma_start3A_72, %dma_start3A_73] : memref<2x1280xf32, #tpu.memory_space<vmem>> -> memref<2x640xf32, #tpu.memory_space<vmem>>
    %dma_start3A_75 = arith.constant 0 : i32
    %dma_start3A_76 = tpu.memref_slice %arg9[%dma_start3A_75, %mul3A_5] : memref<2x20000xf32, #tpu.memory_space<hbm>> -> memref<2x640xf32, #tpu.memory_space<hbm>>
    tpu.enqueue_dma source(%dma_start3A_76 : memref<2x640xf32, #tpu.memory_space<hbm>>) target(%dma_start3A_74 : memref<2x640xf32, #tpu.memory_space<vmem>>) target_semaphore(%arg25 : memref<!tpu.dma_semaphore, #tpu.memory_space<semaphore_mem>>)
    "tpu.region"() ({
      %run_scoped3A = tpu.sem_alloc : memref<!tpu.dma_semaphore, #tpu.memory_space<semaphore_mem>>
      %dma_start3A_246 = arith.constant 8 : i32
      %dma_start3A_247 = tpu.memref_slice %arg16[%dma_start3A_246] : memref<16xf32, #tpu.memory_space<vmem>> -> memref<2xf32, #tpu.memory_space<vmem>>
      %dma_start3A_248 = arith.constant 8 : i32
      %dma_start3A_249 = tpu.memref_slice %arg16[%dma_start3A_248] : memref<16xf32, #tpu.memory_space<vmem>> -> memref<2xf32, #tpu.memory_space<vmem>>
      tpu.enqueue_dma source(%arg10 : memref<2xf32, #tpu.memory_space<hbm>>) target(%dma_start3A_249 : memref<2xf32, #tpu.memory_space<vmem>>) target_semaphore(%run_scoped3A : memref<!tpu.dma_semaphore, #tpu.memory_space<semaphore_mem>>)
      %dma_wait3A_250 = arith.constant 8 : i32
      %dma_wait3A_251 = tpu.memref_slice %arg16[%dma_wait3A_250] : memref<16xf32, #tpu.memory_space<vmem>> -> memref<2xf32, #tpu.memory_space<vmem>>
      %dma_wait3A_252 = arith.constant 8 : i32
      %dma_wait3A_253 = tpu.memref_slice %arg16[%dma_wait3A_252] : memref<16xf32, #tpu.memory_space<vmem>> -> memref<2xf32, #tpu.memory_space<vmem>>
      tpu.wait_dma2 semaphore(%run_scoped3A : memref<!tpu.dma_semaphore, #tpu.memory_space<semaphore_mem>>) src(%arg10 : memref<2xf32, #tpu.memory_space<hbm>>) dst(%dma_wait3A_253 : memref<2xf32, #tpu.memory_space<vmem>>)
      tpu.yield
    }) : () -> ()
    "tpu.region"() ({
      %run_scoped3A = tpu.sem_alloc : memref<!tpu.dma_semaphore, #tpu.memory_space<semaphore_mem>>
      %dma_start3A_246 = arith.constant 8 : i32
      %dma_start3A_247 = tpu.memref_slice %arg17[%dma_start3A_246] : memref<16xf32, #tpu.memory_space<vmem>> -> memref<3xf32, #tpu.memory_space<vmem>>
      %dma_start3A_248 = arith.constant 8 : i32
      %dma_start3A_249 = tpu.memref_slice %arg17[%dma_start3A_248] : memref<16xf32, #tpu.memory_space<vmem>> -> memref<3xf32, #tpu.memory_space<vmem>>
      tpu.enqueue_dma source(%arg11 : memref<3xf32, #tpu.memory_space<hbm>>) target(%dma_start3A_249 : memref<3xf32, #tpu.memory_space<vmem>>) target_semaphore(%run_scoped3A : memref<!tpu.dma_semaphore, #tpu.memory_space<semaphore_mem>>)
      %dma_wait3A_250 = arith.constant 8 : i32
      %dma_wait3A_251 = tpu.memref_slice %arg17[%dma_wait3A_250] : memref<16xf32, #tpu.memory_space<vmem>> -> memref<3xf32, #tpu.memory_space<vmem>>
      %dma_wait3A_252 = arith.constant 8 : i32
      %dma_wait3A_253 = tpu.memref_slice %arg17[%dma_wait3A_252] : memref<16xf32, #tpu.memory_space<vmem>> -> memref<3xf32, #tpu.memory_space<vmem>>
      tpu.wait_dma2 semaphore(%run_scoped3A : memref<!tpu.dma_semaphore, #tpu.memory_space<semaphore_mem>>) src(%arg11 : memref<3xf32, #tpu.memory_space<hbm>>) dst(%dma_wait3A_253 : memref<3xf32, #tpu.memory_space<vmem>>)
      tpu.yield
    }) : () -> ()
    %broadcast_in_dim3A = arith.constant 8 : i32
    %broadcast_in_dim3A_77 = vector.broadcast %broadcast_in_dim3A : i32 to vector<16xi32>
    %gather3A = tpu.vector_load_idx %arg17[%broadcast_in_dim3A_77] : memref<16xf32, #tpu.memory_space<vmem>>[vector<16xi32>], vector<16xf32>,
    %broadcast_in_dim3A_78 = arith.constant 9 : i32
    %broadcast_in_dim3A_79 = vector.broadcast %broadcast_in_dim3A_78 : i32 to vector<16xi32>
    %gather3A_80 = tpu.vector_load_idx %arg17[%broadcast_in_dim3A_79] : memref<16xf32, #tpu.memory_space<vmem>>[vector<16xi32>], vector<16xf32>,
    %broadcast_in_dim3A_81 = arith.constant 10 : i32
    %broadcast_in_dim3A_82 = vector.broadcast %broadcast_in_dim3A_81 : i32 to vector<16xi32>
    %gather3A_83 = tpu.vector_load_idx %arg17[%broadcast_in_dim3A_82] : memref<16xf32, #tpu.memory_space<vmem>>[vector<16xi32>], vector<16xf32>,
    %broadcast_in_dim3A_84 = arith.constant 8 : i32
    %broadcast_in_dim3A_85 = vector.broadcast %broadcast_in_dim3A_84 : i32 to vector<16xi32>
    %gather3A_86 = tpu.vector_load_idx %arg16[%broadcast_in_dim3A_85] : memref<16xf32, #tpu.memory_space<vmem>>[vector<16xi32>], vector<16xf32>,
    %broadcast_in_dim3A_87 = arith.constant 9 : i32
    %broadcast_in_dim3A_88 = vector.broadcast %broadcast_in_dim3A_87 : i32 to vector<16xi32>
    %gather3A_89 = tpu.vector_load_idx %arg16[%broadcast_in_dim3A_88] : memref<16xf32, #tpu.memory_space<vmem>>[vector<16xi32>], vector<16xf32>,
    %dma_wait3A = arith.constant 0 : i32
    %dma_wait3A_90 = arith.constant 0 : i32
    %dma_wait3A_91 = tpu.memref_slice %arg18[%dma_wait3A, %dma_wait3A_90] : memref<7x1280xf32, #tpu.memory_space<vmem>> -> memref<7x640xf32, #tpu.memory_space<vmem>>
    %dma_wait3A_92 = arith.constant 0 : i32
    %dma_wait3A_93 = tpu.memref_slice %arg2[%dma_wait3A_92, %mul3A_5] : memref<7x20000xf32, #tpu.memory_space<hbm>> -> memref<7x640xf32, #tpu.memory_space<hbm>>
    %dma_wait3A_94 = arith.constant 0 : i32
    %dma_wait3A_95 = arith.constant 0 : i32
    %dma_wait3A_96 = tpu.memref_slice %arg18[%dma_wait3A_94, %dma_wait3A_95] : memref<7x1280xf32, #tpu.memory_space<vmem>> -> memref<7x640xf32, #tpu.memory_space<vmem>>
    %dma_wait3A_97 = arith.constant 0 : i32
    %dma_wait3A_98 = tpu.memref_slice %arg2[%dma_wait3A_97, %mul3A_5] : memref<7x20000xf32, #tpu.memory_space<hbm>> -> memref<7x640xf32, #tpu.memory_space<hbm>>
    tpu.wait_dma2 semaphore(%arg24 : memref<!tpu.dma_semaphore, #tpu.memory_space<semaphore_mem>>) src(%dma_wait3A_98 : memref<7x640xf32, #tpu.memory_space<hbm>>) dst(%dma_wait3A_96 : memref<7x640xf32, #tpu.memory_space<vmem>>)
    %dma_wait3A_99 = arith.constant 0 : i32
    %dma_wait3A_100 = arith.constant 0 : i32
    %dma_wait3A_101 = tpu.memref_slice %arg19[%dma_wait3A_99, %dma_wait3A_100] : memref<4x1280xf32, #tpu.memory_space<vmem>> -> memref<4x640xf32, #tpu.memory_space<vmem>>
    %dma_wait3A_102 = arith.constant 0 : i32
    %dma_wait3A_103 = tpu.memref_slice %arg3[%dma_wait3A_102, %mul3A_5] : memref<4x20000xf32, #tpu.memory_space<hbm>> -> memref<4x640xf32, #tpu.memory_space<hbm>>
    %dma_wait3A_104 = arith.constant 0 : i32
    %dma_wait3A_105 = arith.constant 0 : i32
    %dma_wait3A_106 = tpu.memref_slice %arg19[%dma_wait3A_104, %dma_wait3A_105] : memref<4x1280xf32, #tpu.memory_space<vmem>> -> memref<4x640xf32, #tpu.memory_space<vmem>>
    %dma_wait3A_107 = arith.constant 0 : i32
    %dma_wait3A_108 = tpu.memref_slice %arg3[%dma_wait3A_107, %mul3A_5] : memref<4x20000xf32, #tpu.memory_space<hbm>> -> memref<4x640xf32, #tpu.memory_space<hbm>>
    tpu.wait_dma2 semaphore(%arg24 : memref<!tpu.dma_semaphore, #tpu.memory_space<semaphore_mem>>) src(%dma_wait3A_108 : memref<4x640xf32, #tpu.memory_space<hbm>>) dst(%dma_wait3A_106 : memref<4x640xf32, #tpu.memory_space<vmem>>)
    %dma_wait3A_109 = arith.constant 0 : i32
    %dma_wait3A_110 = tpu.memref_slice %arg20[%dma_wait3A_109] : memref<1280xf32, #tpu.memory_space<vmem>> -> memref<640xf32, #tpu.memory_space<vmem>>
    %dma_wait3A_111 = tpu.memref_slice %arg4[%mul3A_5] : memref<20000xf32, #tpu.memory_space<hbm>> -> memref<640xf32, #tpu.memory_space<hbm>>
    %dma_wait3A_112 = arith.constant 0 : i32
    %dma_wait3A_113 = tpu.memref_slice %arg20[%dma_wait3A_112] : memref<1280xf32, #tpu.memory_space<vmem>> -> memref<640xf32, #tpu.memory_space<vmem>>
    %dma_wait3A_114 = tpu.memref_slice %arg4[%mul3A_5] : memref<20000xf32, #tpu.memory_space<hbm>> -> memref<640xf32, #tpu.memory_space<hbm>>
    tpu.wait_dma2 semaphore(%arg24 : memref<!tpu.dma_semaphore, #tpu.memory_space<semaphore_mem>>) src(%dma_wait3A_114 : memref<640xf32, #tpu.memory_space<hbm>>) dst(%dma_wait3A_113 : memref<640xf32, #tpu.memory_space<vmem>>)
    %dma_wait3A_115 = arith.constant 0 : i32
    %dma_wait3A_116 = arith.constant 0 : i32
    %dma_wait3A_117 = tpu.memref_slice %arg21[%dma_wait3A_115, %dma_wait3A_116] : memref<2x1280xf32, #tpu.memory_space<vmem>> -> memref<2x640xf32, #tpu.memory_space<vmem>>
    %dma_wait3A_118 = arith.constant 0 : i32
    %dma_wait3A_119 = tpu.memref_slice %arg5[%dma_wait3A_118, %mul3A_5] : memref<2x20000xf32, #tpu.memory_space<hbm>> -> memref<2x640xf32, #tpu.memory_space<hbm>>
    %dma_wait3A_120 = arith.constant 0 : i32
    %dma_wait3A_121 = arith.constant 0 : i32
    %dma_wait3A_122 = tpu.memref_slice %arg21[%dma_wait3A_120, %dma_wait3A_121] : memref<2x1280xf32, #tpu.memory_space<vmem>> -> memref<2x640xf32, #tpu.memory_space<vmem>>
    %dma_wait3A_123 = arith.constant 0 : i32
    %dma_wait3A_124 = tpu.memref_slice %arg5[%dma_wait3A_123, %mul3A_5] : memref<2x20000xf32, #tpu.memory_space<hbm>> -> memref<2x640xf32, #tpu.memory_space<hbm>>
    tpu.wait_dma2 semaphore(%arg24 : memref<!tpu.dma_semaphore, #tpu.memory_space<semaphore_mem>>) src(%dma_wait3A_124 : memref<2x640xf32, #tpu.memory_space<hbm>>) dst(%dma_wait3A_122 : memref<2x640xf32, #tpu.memory_space<vmem>>)
    %parallel_loop3A = arith.constant 0 : i32
    %parallel_loop3A_125 = arith.constant 640 : i32
    %parallel_loop3A_126 = arith.constant 16 : i32
    scf.for %parallel_loop3A_246 = %parallel_loop3A to %parallel_loop3A_125 step %parallel_loop3A_126  : i32 {
      %parallel_loop3A_247 = arith.index_cast %parallel_loop3A_246 : i32 to index
      %parallel_loop3A_248 = tpu.vector_load %arg20[%parallel_loop3A_247] {strides = array<i32>} : memref<1280xf32, #tpu.memory_space<vmem>>, vector<16xf32>,
      %parallel_loop3A_249 = arith.constant 0.899999976 : f32
      %parallel_loop3A_250 = vector.broadcast %parallel_loop3A_249 : f32 to vector<16xf32>
      %parallel_loop3A_251 = arith.cmpf oge, %parallel_loop3A_248, %parallel_loop3A_250 : vector<16xf32>
      %parallel_loop3A_252 = arith.constant 1.000000e+00 : f32
      %parallel_loop3A_253 = arith.constant 0.000000e+00 : f32
      %parallel_loop3A_254 = vector.broadcast %parallel_loop3A_252 : f32 to vector<16xf32>
      %parallel_loop3A_255 = vector.broadcast %parallel_loop3A_253 : f32 to vector<16xf32>
      %parallel_loop3A_256 = arith.select %parallel_loop3A_251, %parallel_loop3A_254, %parallel_loop3A_255 : vector<16xi1>, vector<16xf32>
      %parallel_loop3A_257 = arith.constant 0 : i32
      %parallel_loop3A_258 = arith.index_cast %parallel_loop3A_257 : i32 to index
      %parallel_loop3A_259 = arith.index_cast %parallel_loop3A_246 : i32 to index
      %parallel_loop3A_260 = tpu.vector_load %arg18[%parallel_loop3A_258, %parallel_loop3A_259] {strides = array<i32>} : memref<7x1280xf32, #tpu.memory_space<vmem>>, vector<16xf32>,
      %parallel_loop3A_261 = arith.constant 0.000000e+00 : f32
      %parallel_loop3A_262 = vector.broadcast %parallel_loop3A_261 : f32 to vector<16xf32>
      %parallel_loop3A_263 = arith.subf %parallel_loop3A_262, %parallel_loop3A_260 : vector<16xf32>
      %parallel_loop3A_264 = math.exp %parallel_loop3A_263 : vector<16xf32>
      %parallel_loop3A_265 = arith.constant 1.000000e+00 : f32
      %parallel_loop3A_266 = vector.broadcast %parallel_loop3A_265 : f32 to vector<16xf32>
      %parallel_loop3A_267 = arith.addf %parallel_loop3A_266, %parallel_loop3A_264 : vector<16xf32>
      %parallel_loop3A_268 = arith.constant 1.000000e+00 : f32
      %parallel_loop3A_269 = vector.broadcast %parallel_loop3A_268 : f32 to vector<16xf32>
      %parallel_loop3A_270 = arith.divf %parallel_loop3A_269, %parallel_loop3A_267 : vector<16xf32>
      %parallel_loop3A_271 = arith.constant 1.57079637 : f32
      %parallel_loop3A_272 = vector.broadcast %parallel_loop3A_271 : f32 to vector<16xf32>
      %parallel_loop3A_273 = arith.mulf %parallel_loop3A_270, %parallel_loop3A_272 : vector<16xf32>
      %parallel_loop3A_274 = arith.addf %gather3A_86, %parallel_loop3A_273 : vector<16xf32>
      %parallel_loop3A_275 = arith.mulf %parallel_loop3A_274, %parallel_loop3A_256 : vector<16xf32>
      %parallel_loop3A_276 = arith.constant 0 : i32
      %parallel_loop3A_277 = arith.index_cast %parallel_loop3A_276 : i32 to index
      %parallel_loop3A_278 = arith.index_cast %parallel_loop3A_246 : i32 to index
      %parallel_loop3A_279 = tpu.vector_load %arg22[%parallel_loop3A_277, %parallel_loop3A_278] {strides = array<i32>} : memref<7x1280xf32, #tpu.memory_space<vmem>>, vector<16xf32>,
      tpu.vector_store %arg22[%parallel_loop3A_277, %parallel_loop3A_278], %parallel_loop3A_275 {strides = array<i32>} : memref<7x1280xf32, #tpu.memory_space<vmem>>, vector<16xf32>,
      %parallel_loop3A_280 = arith.constant 1 : i32
      %parallel_loop3A_281 = arith.index_cast %parallel_loop3A_280 : i32 to index
      %parallel_loop3A_282 = arith.index_cast %parallel_loop3A_246 : i32 to index
      %parallel_loop3A_283 = tpu.vector_load %arg18[%parallel_loop3A_281, %parallel_loop3A_282] {strides = array<i32>} : memref<7x1280xf32, #tpu.memory_space<vmem>>, vector<16xf32>,
      %parallel_loop3A_284 = arith.constant 0 : i32
      %parallel_loop3A_285 = arith.index_cast %parallel_loop3A_284 : i32 to index
      %parallel_loop3A_286 = arith.index_cast %parallel_loop3A_246 : i32 to index
      %parallel_loop3A_287 = tpu.vector_load %arg21[%parallel_loop3A_285, %parallel_loop3A_286] {strides = array<i32>} : memref<2x1280xf32, #tpu.memory_space<vmem>>, vector<16xf32>,
      %parallel_loop3A_288 = arith.constant 0.000000e+00 : f32
      %parallel_loop3A_289 = vector.broadcast %parallel_loop3A_288 : f32 to vector<16xf32>
      %parallel_loop3A_290 = arith.subf %parallel_loop3A_289, %parallel_loop3A_283 : vector<16xf32>
      %parallel_loop3A_291 = math.exp %parallel_loop3A_290 : vector<16xf32>
      %parallel_loop3A_292 = arith.constant 1.000000e+00 : f32
      %parallel_loop3A_293 = vector.broadcast %parallel_loop3A_292 : f32 to vector<16xf32>
      %parallel_loop3A_294 = arith.addf %parallel_loop3A_293, %parallel_loop3A_291 : vector<16xf32>
      %parallel_loop3A_295 = arith.constant 1.000000e+00 : f32
      %parallel_loop3A_296 = vector.broadcast %parallel_loop3A_295 : f32 to vector<16xf32>
      %parallel_loop3A_297 = arith.divf %parallel_loop3A_296, %parallel_loop3A_294 : vector<16xf32>
      %parallel_loop3A_298 = arith.addf %parallel_loop3A_297, %parallel_loop3A_287 : vector<16xf32>
      %parallel_loop3A_299 = arith.constant 5.000000e-01 : f32
      %parallel_loop3A_300 = vector.broadcast %parallel_loop3A_299 : f32 to vector<16xf32>
      %parallel_loop3A_301 = arith.addf %parallel_loop3A_298, %parallel_loop3A_300 : vector<16xf32>
      %parallel_loop3A_302 = arith.mulf %parallel_loop3A_301, %parallel_loop3A_256 : vector<16xf32>
      %parallel_loop3A_303 = arith.constant 1 : i32
      %parallel_loop3A_304 = arith.index_cast %parallel_loop3A_303 : i32 to index
      %parallel_loop3A_305 = arith.index_cast %parallel_loop3A_246 : i32 to index
      %parallel_loop3A_306 = tpu.vector_load %arg22[%parallel_loop3A_304, %parallel_loop3A_305] {strides = array<i32>} : memref<7x1280xf32, #tpu.memory_space<vmem>>, vector<16xf32>,
      tpu.vector_store %arg22[%parallel_loop3A_304, %parallel_loop3A_305], %parallel_loop3A_302 {strides = array<i32>} : memref<7x1280xf32, #tpu.memory_space<vmem>>, vector<16xf32>,
      %parallel_loop3A_307 = arith.constant 2 : i32
      %parallel_loop3A_308 = arith.index_cast %parallel_loop3A_307 : i32 to index
      %parallel_loop3A_309 = arith.index_cast %parallel_loop3A_246 : i32 to index
      %parallel_loop3A_310 = tpu.vector_load %arg18[%parallel_loop3A_308, %parallel_loop3A_309] {strides = array<i32>} : memref<7x1280xf32, #tpu.memory_space<vmem>>, vector<16xf32>,
      %parallel_loop3A_311 = arith.constant 1 : i32
      %parallel_loop3A_312 = arith.index_cast %parallel_loop3A_311 : i32 to index
      %parallel_loop3A_313 = arith.index_cast %parallel_loop3A_246 : i32 to index
      %parallel_loop3A_314 = tpu.vector_load %arg21[%parallel_loop3A_312, %parallel_loop3A_313] {strides = array<i32>} : memref<2x1280xf32, #tpu.memory_space<vmem>>, vector<16xf32>,
      %parallel_loop3A_315 = arith.constant 0.000000e+00 : f32
      %parallel_loop3A_316 = vector.broadcast %parallel_loop3A_315 : f32 to vector<16xf32>
      %parallel_loop3A_317 = arith.subf %parallel_loop3A_316, %parallel_loop3A_310 : vector<16xf32>
      %parallel_loop3A_318 = math.exp %parallel_loop3A_317 : vector<16xf32>
      %parallel_loop3A_319 = arith.constant 1.000000e+00 : f32
      %parallel_loop3A_320 = vector.broadcast %parallel_loop3A_319 : f32 to vector<16xf32>
      %parallel_loop3A_321 = arith.addf %parallel_loop3A_320, %parallel_loop3A_318 : vector<16xf32>
      %parallel_loop3A_322 = arith.constant 1.000000e+00 : f32
      %parallel_loop3A_323 = vector.broadcast %parallel_loop3A_322 : f32 to vector<16xf32>
      %parallel_loop3A_324 = arith.divf %parallel_loop3A_323, %parallel_loop3A_321 : vector<16xf32>
      %parallel_loop3A_325 = arith.addf %parallel_loop3A_324, %parallel_loop3A_314 : vector<16xf32>
      %parallel_loop3A_326 = arith.constant 5.000000e-01 : f32
      %parallel_loop3A_327 = vector.broadcast %parallel_loop3A_326 : f32 to vector<16xf32>
      %parallel_loop3A_328 = arith.addf %parallel_loop3A_325, %parallel_loop3A_327 : vector<16xf32>
      %parallel_loop3A_329 = arith.mulf %parallel_loop3A_328, %parallel_loop3A_256 : vector<16xf32>
      %parallel_loop3A_330 = arith.constant 2 : i32
      %parallel_loop3A_331 = arith.index_cast %parallel_loop3A_330 : i32 to index
      %parallel_loop3A_332 = arith.index_cast %parallel_loop3A_246 : i32 to index
      %parallel_loop3A_333 = tpu.vector_load %arg22[%parallel_loop3A_331, %parallel_loop3A_332] {strides = array<i32>} : memref<7x1280xf32, #tpu.memory_space<vmem>>, vector<16xf32>,
      tpu.vector_store %arg22[%parallel_loop3A_331, %parallel_loop3A_332], %parallel_loop3A_329 {strides = array<i32>} : memref<7x1280xf32, #tpu.memory_space<vmem>>, vector<16xf32>,
      %parallel_loop3A_334 = arith.constant 3 : i32
      %parallel_loop3A_335 = arith.index_cast %parallel_loop3A_334 : i32 to index
      %parallel_loop3A_336 = arith.index_cast %parallel_loop3A_246 : i32 to index
      %parallel_loop3A_337 = tpu.vector_load %arg18[%parallel_loop3A_335, %parallel_loop3A_336] {strides = array<i32>} : memref<7x1280xf32, #tpu.memory_space<vmem>>, vector<16xf32>,
      %parallel_loop3A_338 = arith.constant 0.000000e+00 : f32
      %parallel_loop3A_339 = vector.broadcast %parallel_loop3A_338 : f32 to vector<16xf32>
      %parallel_loop3A_340 = arith.subf %parallel_loop3A_339, %parallel_loop3A_337 : vector<16xf32>
      %parallel_loop3A_341 = math.exp %parallel_loop3A_340 : vector<16xf32>
      %parallel_loop3A_342 = arith.constant 1.000000e+00 : f32
      %parallel_loop3A_343 = vector.broadcast %parallel_loop3A_342 : f32 to vector<16xf32>
      %parallel_loop3A_344 = arith.addf %parallel_loop3A_343, %parallel_loop3A_341 : vector<16xf32>
      %parallel_loop3A_345 = arith.constant 1.000000e+00 : f32
      %parallel_loop3A_346 = vector.broadcast %parallel_loop3A_345 : f32 to vector<16xf32>
      %parallel_loop3A_347 = arith.divf %parallel_loop3A_346, %parallel_loop3A_344 : vector<16xf32>
      %parallel_loop3A_348 = arith.mulf %parallel_loop3A_347, %parallel_loop3A_256 : vector<16xf32>
      %parallel_loop3A_349 = arith.constant 3 : i32
      %parallel_loop3A_350 = arith.index_cast %parallel_loop3A_349 : i32 to index
      %parallel_loop3A_351 = arith.index_cast %parallel_loop3A_246 : i32 to index
      %parallel_loop3A_352 = tpu.vector_load %arg22[%parallel_loop3A_350, %parallel_loop3A_351] {strides = array<i32>} : memref<7x1280xf32, #tpu.memory_space<vmem>>, vector<16xf32>,
      tpu.vector_store %arg22[%parallel_loop3A_350, %parallel_loop3A_351], %parallel_loop3A_348 {strides = array<i32>} : memref<7x1280xf32, #tpu.memory_space<vmem>>, vector<16xf32>,
      %parallel_loop3A_353 = arith.constant 4 : i32
      %parallel_loop3A_354 = arith.index_cast %parallel_loop3A_353 : i32 to index
      %parallel_loop3A_355 = arith.index_cast %parallel_loop3A_246 : i32 to index
      %parallel_loop3A_356 = tpu.vector_load %arg18[%parallel_loop3A_354, %parallel_loop3A_355] {strides = array<i32>} : memref<7x1280xf32, #tpu.memory_space<vmem>>, vector<16xf32>,
      %parallel_loop3A_357 = math.exp %parallel_loop3A_356 : vector<16xf32>
      %parallel_loop3A_358 = arith.mulf %gather3A, %parallel_loop3A_357 : vector<16xf32>
      %parallel_loop3A_359 = arith.mulf %parallel_loop3A_358, %parallel_loop3A_256 : vector<16xf32>
      %parallel_loop3A_360 = arith.constant 4 : i32
      %parallel_loop3A_361 = arith.index_cast %parallel_loop3A_360 : i32 to index
      %parallel_loop3A_362 = arith.index_cast %parallel_loop3A_246 : i32 to index
      %parallel_loop3A_363 = tpu.vector_load %arg22[%parallel_loop3A_361, %parallel_loop3A_362] {strides = array<i32>} : memref<7x1280xf32, #tpu.memory_space<vmem>>, vector<16xf32>,
      tpu.vector_store %arg22[%parallel_loop3A_361, %parallel_loop3A_362], %parallel_loop3A_359 {strides = array<i32>} : memref<7x1280xf32, #tpu.memory_space<vmem>>, vector<16xf32>,
      %parallel_loop3A_364 = arith.constant 5 : i32
      %parallel_loop3A_365 = arith.index_cast %parallel_loop3A_364 : i32 to index
      %parallel_loop3A_366 = arith.index_cast %parallel_loop3A_246 : i32 to index
      %parallel_loop3A_367 = tpu.vector_load %arg18[%parallel_loop3A_365, %parallel_loop3A_366] {strides = array<i32>} : memref<7x1280xf32, #tpu.memory_space<vmem>>, vector<16xf32>,
      %parallel_loop3A_368 = math.exp %parallel_loop3A_367 : vector<16xf32>
      %parallel_loop3A_369 = arith.mulf %gather3A_80, %parallel_loop3A_368 : vector<16xf32>
      %parallel_loop3A_370 = arith.mulf %parallel_loop3A_369, %parallel_loop3A_256 : vector<16xf32>
      %parallel_loop3A_371 = arith.constant 5 : i32
      %parallel_loop3A_372 = arith.index_cast %parallel_loop3A_371 : i32 to index
      %parallel_loop3A_373 = arith.index_cast %parallel_loop3A_246 : i32 to index
      %parallel_loop3A_374 = tpu.vector_load %arg22[%parallel_loop3A_372, %parallel_loop3A_373] {strides = array<i32>} : memref<7x1280xf32, #tpu.memory_space<vmem>>, vector<16xf32>,
      tpu.vector_store %arg22[%parallel_loop3A_372, %parallel_loop3A_373], %parallel_loop3A_370 {strides = array<i32>} : memref<7x1280xf32, #tpu.memory_space<vmem>>, vector<16xf32>,
      %parallel_loop3A_375 = arith.constant 6 : i32
      %parallel_loop3A_376 = arith.index_cast %parallel_loop3A_375 : i32 to index
      %parallel_loop3A_377 = arith.index_cast %parallel_loop3A_246 : i32 to index
      %parallel_loop3A_378 = tpu.vector_load %arg18[%parallel_loop3A_376, %parallel_loop3A_377] {strides = array<i32>} : memref<7x1280xf32, #tpu.memory_space<vmem>>, vector<16xf32>,
      %parallel_loop3A_379 = math.exp %parallel_loop3A_378 : vector<16xf32>
      %parallel_loop3A_380 = arith.mulf %gather3A_83, %parallel_loop3A_379 : vector<16xf32>
      %parallel_loop3A_381 = arith.mulf %parallel_loop3A_380, %parallel_loop3A_256 : vector<16xf32>
      %parallel_loop3A_382 = arith.constant 6 : i32
      %parallel_loop3A_383 = arith.index_cast %parallel_loop3A_382 : i32 to index
      %parallel_loop3A_384 = arith.index_cast %parallel_loop3A_246 : i32 to index
      %parallel_loop3A_385 = tpu.vector_load %arg22[%parallel_loop3A_383, %parallel_loop3A_384] {strides = array<i32>} : memref<7x1280xf32, #tpu.memory_space<vmem>>, vector<16xf32>,
      tpu.vector_store %arg22[%parallel_loop3A_383, %parallel_loop3A_384], %parallel_loop3A_381 {strides = array<i32>} : memref<7x1280xf32, #tpu.memory_space<vmem>>, vector<16xf32>,
      %parallel_loop3A_386 = arith.constant 0 : i32
      %parallel_loop3A_387 = arith.index_cast %parallel_loop3A_386 : i32 to index
      %parallel_loop3A_388 = arith.index_cast %parallel_loop3A_246 : i32 to index
      %parallel_loop3A_389 = tpu.vector_load %arg19[%parallel_loop3A_387, %parallel_loop3A_388] {strides = array<i32>} : memref<4x1280xf32, #tpu.memory_space<vmem>>, vector<16xf32>,
      %parallel_loop3A_390 = arith.mulf %parallel_loop3A_389, %parallel_loop3A_256 : vector<16xf32>
      %parallel_loop3A_391 = arith.constant 0 : i32
      %parallel_loop3A_392 = arith.index_cast %parallel_loop3A_391 : i32 to index
      %parallel_loop3A_393 = arith.index_cast %parallel_loop3A_246 : i32 to index
      %parallel_loop3A_394 = tpu.vector_load %arg23[%parallel_loop3A_392, %parallel_loop3A_393] {strides = array<i32>} : memref<4x1280xf32, #tpu.memory_space<vmem>>, vector<16xf32>,
      tpu.vector_store %arg23[%parallel_loop3A_392, %parallel_loop3A_393], %parallel_loop3A_390 {strides = array<i32>} : memref<4x1280xf32, #tpu.memory_space<vmem>>, vector<16xf32>,
      %parallel_loop3A_395 = arith.constant 1 : i32
      %parallel_loop3A_396 = arith.index_cast %parallel_loop3A_395 : i32 to index
      %parallel_loop3A_397 = arith.index_cast %parallel_loop3A_246 : i32 to index
      %parallel_loop3A_398 = tpu.vector_load %arg19[%parallel_loop3A_396, %parallel_loop3A_397] {strides = array<i32>} : memref<4x1280xf32, #tpu.memory_space<vmem>>, vector<16xf32>,
      %parallel_loop3A_399 = arith.mulf %parallel_loop3A_398, %parallel_loop3A_256 : vector<16xf32>
      %parallel_loop3A_400 = arith.constant 1 : i32
      %parallel_loop3A_401 = arith.index_cast %parallel_loop3A_400 : i32 to index
      %parallel_loop3A_402 = arith.index_cast %parallel_loop3A_246 : i32 to index
      %parallel_loop3A_403 = tpu.vector_load %arg23[%parallel_loop3A_401, %parallel_loop3A_402] {strides = array<i32>} : memref<4x1280xf32, #tpu.memory_space<vmem>>, vector<16xf32>,
      tpu.vector_store %arg23[%parallel_loop3A_401, %parallel_loop3A_402], %parallel_loop3A_399 {strides = array<i32>} : memref<4x1280xf32, #tpu.memory_space<vmem>>, vector<16xf32>,
      %parallel_loop3A_404 = arith.constant 2 : i32
      %parallel_loop3A_405 = arith.index_cast %parallel_loop3A_404 : i32 to index
      %parallel_loop3A_406 = arith.index_cast %parallel_loop3A_246 : i32 to index
      %parallel_loop3A_407 = tpu.vector_load %arg19[%parallel_loop3A_405, %parallel_loop3A_406] {strides = array<i32>} : memref<4x1280xf32, #tpu.memory_space<vmem>>, vector<16xf32>,
      %parallel_loop3A_408 = arith.mulf %parallel_loop3A_407, %parallel_loop3A_256 : vector<16xf32>
      %parallel_loop3A_409 = arith.constant 2 : i32
      %parallel_loop3A_410 = arith.index_cast %parallel_loop3A_409 : i32 to index
      %parallel_loop3A_411 = arith.index_cast %parallel_loop3A_246 : i32 to index
      %parallel_loop3A_412 = tpu.vector_load %arg23[%parallel_loop3A_410, %parallel_loop3A_411] {strides = array<i32>} : memref<4x1280xf32, #tpu.memory_space<vmem>>, vector<16xf32>,
      tpu.vector_store %arg23[%parallel_loop3A_410, %parallel_loop3A_411], %parallel_loop3A_408 {strides = array<i32>} : memref<4x1280xf32, #tpu.memory_space<vmem>>, vector<16xf32>,
      %parallel_loop3A_413 = arith.constant 3 : i32
      %parallel_loop3A_414 = arith.index_cast %parallel_loop3A_413 : i32 to index
      %parallel_loop3A_415 = arith.index_cast %parallel_loop3A_246 : i32 to index
      %parallel_loop3A_416 = tpu.vector_load %arg19[%parallel_loop3A_414, %parallel_loop3A_415] {strides = array<i32>} : memref<4x1280xf32, #tpu.memory_space<vmem>>, vector<16xf32>,
      %parallel_loop3A_417 = arith.mulf %parallel_loop3A_416, %parallel_loop3A_256 : vector<16xf32>
      %parallel_loop3A_418 = arith.constant 3 : i32
      %parallel_loop3A_419 = arith.index_cast %parallel_loop3A_418 : i32 to index
      %parallel_loop3A_420 = arith.index_cast %parallel_loop3A_246 : i32 to index
      %parallel_loop3A_421 = tpu.vector_load %arg23[%parallel_loop3A_419, %parallel_loop3A_420] {strides = array<i32>} : memref<4x1280xf32, #tpu.memory_space<vmem>>, vector<16xf32>,
      tpu.vector_store %arg23[%parallel_loop3A_419, %parallel_loop3A_420], %parallel_loop3A_417 {strides = array<i32>} : memref<4x1280xf32, #tpu.memory_space<vmem>>, vector<16xf32>,
    } {sc.loop_unroll_factor = 2 : i64, sc.parallel_access}
    %dma_start3A_127 = arith.constant 0 : i32
    %dma_start3A_128 = arith.constant 0 : i32
    %dma_start3A_129 = tpu.memref_slice %arg22[%dma_start3A_127, %dma_start3A_128] : memref<7x1280xf32, #tpu.memory_space<vmem>> -> memref<7x640xf32, #tpu.memory_space<vmem>>
    %dma_start3A_130 = arith.constant 0 : i32
    %dma_start3A_131 = tpu.memref_slice %arg12[%dma_start3A_130, %mul3A_5] : memref<7x20000xf32, #tpu.memory_space<hbm>> -> memref<7x640xf32, #tpu.memory_space<hbm>>
    %dma_start3A_132 = arith.constant 0 : i32
    %dma_start3A_133 = tpu.memref_slice %arg12[%dma_start3A_132, %mul3A_5] : memref<7x20000xf32, #tpu.memory_space<hbm>> -> memref<7x640xf32, #tpu.memory_space<hbm>>
    %dma_start3A_134 = arith.constant 0 : i32
    %dma_start3A_135 = arith.constant 0 : i32
    %dma_start3A_136 = tpu.memref_slice %arg22[%dma_start3A_134, %dma_start3A_135] : memref<7x1280xf32, #tpu.memory_space<vmem>> -> memref<7x640xf32, #tpu.memory_space<vmem>>
    tpu.enqueue_dma source(%dma_start3A_136 : memref<7x640xf32, #tpu.memory_space<vmem>>) target(%dma_start3A_133 : memref<7x640xf32, #tpu.memory_space<hbm>>) target_semaphore(%arg26 : memref<!tpu.dma_semaphore, #tpu.memory_space<semaphore_mem>>)
    %dma_start3A_137 = arith.constant 0 : i32
    %dma_start3A_138 = arith.constant 0 : i32
    %dma_start3A_139 = tpu.memref_slice %arg23[%dma_start3A_137, %dma_start3A_138] : memref<4x1280xf32, #tpu.memory_space<vmem>> -> memref<4x640xf32, #tpu.memory_space<vmem>>
    %dma_start3A_140 = arith.constant 0 : i32
    %dma_start3A_141 = tpu.memref_slice %arg13[%dma_start3A_140, %mul3A_5] : memref<4x20000xf32, #tpu.memory_space<hbm>> -> memref<4x640xf32, #tpu.memory_space<hbm>>
    %dma_start3A_142 = arith.constant 0 : i32
    %dma_start3A_143 = tpu.memref_slice %arg13[%dma_start3A_142, %mul3A_5] : memref<4x20000xf32, #tpu.memory_space<hbm>> -> memref<4x640xf32, #tpu.memory_space<hbm>>
    %dma_start3A_144 = arith.constant 0 : i32
    %dma_start3A_145 = arith.constant 0 : i32
    %dma_start3A_146 = tpu.memref_slice %arg23[%dma_start3A_144, %dma_start3A_145] : memref<4x1280xf32, #tpu.memory_space<vmem>> -> memref<4x640xf32, #tpu.memory_space<vmem>>
    tpu.enqueue_dma source(%dma_start3A_146 : memref<4x640xf32, #tpu.memory_space<vmem>>) target(%dma_start3A_143 : memref<4x640xf32, #tpu.memory_space<hbm>>) target_semaphore(%arg26 : memref<!tpu.dma_semaphore, #tpu.memory_space<semaphore_mem>>)
    %dma_wait3A_147 = arith.constant 0 : i32
    %dma_wait3A_148 = arith.constant 640 : i32
    %dma_wait3A_149 = tpu.memref_slice %arg18[%dma_wait3A_147, %dma_wait3A_148] : memref<7x1280xf32, #tpu.memory_space<vmem>> -> memref<7x640xf32, #tpu.memory_space<vmem>>
    %dma_wait3A_150 = arith.constant 0 : i32
    %dma_wait3A_151 = tpu.memref_slice %arg6[%dma_wait3A_150, %mul3A_5] : memref<7x20000xf32, #tpu.memory_space<hbm>> -> memref<7x640xf32, #tpu.memory_space<hbm>>
    %dma_wait3A_152 = arith.constant 0 : i32
    %dma_wait3A_153 = arith.constant 640 : i32
    %dma_wait3A_154 = tpu.memref_slice %arg18[%dma_wait3A_152, %dma_wait3A_153] : memref<7x1280xf32, #tpu.memory_space<vmem>> -> memref<7x640xf32, #tpu.memory_space<vmem>>
    %dma_wait3A_155 = arith.constant 0 : i32
    %dma_wait3A_156 = tpu.memref_slice %arg6[%dma_wait3A_155, %mul3A_5] : memref<7x20000xf32, #tpu.memory_space<hbm>> -> memref<7x640xf32, #tpu.memory_space<hbm>>
    tpu.wait_dma2 semaphore(%arg25 : memref<!tpu.dma_semaphore, #tpu.memory_space<semaphore_mem>>) src(%dma_wait3A_156 : memref<7x640xf32, #tpu.memory_space<hbm>>) dst(%dma_wait3A_154 : memref<7x640xf32, #tpu.memory_space<vmem>>)
    %dma_wait3A_157 = arith.constant 0 : i32
    %dma_wait3A_158 = arith.constant 640 : i32
    %dma_wait3A_159 = tpu.memref_slice %arg19[%dma_wait3A_157, %dma_wait3A_158] : memref<4x1280xf32, #tpu.memory_space<vmem>> -> memref<4x640xf32, #tpu.memory_space<vmem>>
    %dma_wait3A_160 = arith.constant 0 : i32
    %dma_wait3A_161 = tpu.memref_slice %arg7[%dma_wait3A_160, %mul3A_5] : memref<4x20000xf32, #tpu.memory_space<hbm>> -> memref<4x640xf32, #tpu.memory_space<hbm>>
    %dma_wait3A_162 = arith.constant 0 : i32
    %dma_wait3A_163 = arith.constant 640 : i32
    %dma_wait3A_164 = tpu.memref_slice %arg19[%dma_wait3A_162, %dma_wait3A_163] : memref<4x1280xf32, #tpu.memory_space<vmem>> -> memref<4x640xf32, #tpu.memory_space<vmem>>
    %dma_wait3A_165 = arith.constant 0 : i32
    %dma_wait3A_166 = tpu.memref_slice %arg7[%dma_wait3A_165, %mul3A_5] : memref<4x20000xf32, #tpu.memory_space<hbm>> -> memref<4x640xf32, #tpu.memory_space<hbm>>
    tpu.wait_dma2 semaphore(%arg25 : memref<!tpu.dma_semaphore, #tpu.memory_space<semaphore_mem>>) src(%dma_wait3A_166 : memref<4x640xf32, #tpu.memory_space<hbm>>) dst(%dma_wait3A_164 : memref<4x640xf32, #tpu.memory_space<vmem>>)
    %dma_wait3A_167 = arith.constant 640 : i32
    %dma_wait3A_168 = tpu.memref_slice %arg20[%dma_wait3A_167] : memref<1280xf32, #tpu.memory_space<vmem>> -> memref<640xf32, #tpu.memory_space<vmem>>
    %dma_wait3A_169 = tpu.memref_slice %arg8[%mul3A_5] : memref<20000xf32, #tpu.memory_space<hbm>> -> memref<640xf32, #tpu.memory_space<hbm>>
    %dma_wait3A_170 = arith.constant 640 : i32
    %dma_wait3A_171 = tpu.memref_slice %arg20[%dma_wait3A_170] : memref<1280xf32, #tpu.memory_space<vmem>> -> memref<640xf32, #tpu.memory_space<vmem>>
    %dma_wait3A_172 = tpu.memref_slice %arg8[%mul3A_5] : memref<20000xf32, #tpu.memory_space<hbm>> -> memref<640xf32, #tpu.memory_space<hbm>>
    tpu.wait_dma2 semaphore(%arg25 : memref<!tpu.dma_semaphore, #tpu.memory_space<semaphore_mem>>) src(%dma_wait3A_172 : memref<640xf32, #tpu.memory_space<hbm>>) dst(%dma_wait3A_171 : memref<640xf32, #tpu.memory_space<vmem>>)
    %dma_wait3A_173 = arith.constant 0 : i32
    %dma_wait3A_174 = arith.constant 640 : i32
    %dma_wait3A_175 = tpu.memref_slice %arg21[%dma_wait3A_173, %dma_wait3A_174] : memref<2x1280xf32, #tpu.memory_space<vmem>> -> memref<2x640xf32, #tpu.memory_space<vmem>>
    %dma_wait3A_176 = arith.constant 0 : i32
    %dma_wait3A_177 = tpu.memref_slice %arg9[%dma_wait3A_176, %mul3A_5] : memref<2x20000xf32, #tpu.memory_space<hbm>> -> memref<2x640xf32, #tpu.memory_space<hbm>>
    %dma_wait3A_178 = arith.constant 0 : i32
    %dma_wait3A_179 = arith.constant 640 : i32
    %dma_wait3A_180 = tpu.memref_slice %arg21[%dma_wait3A_178, %dma_wait3A_179] : memref<2x1280xf32, #tpu.memory_space<vmem>> -> memref<2x640xf32, #tpu.memory_space<vmem>>
    %dma_wait3A_181 = arith.constant 0 : i32
    %dma_wait3A_182 = tpu.memref_slice %arg9[%dma_wait3A_181, %mul3A_5] : memref<2x20000xf32, #tpu.memory_space<hbm>> -> memref<2x640xf32, #tpu.memory_space<hbm>>
    tpu.wait_dma2 semaphore(%arg25 : memref<!tpu.dma_semaphore, #tpu.memory_space<semaphore_mem>>) src(%dma_wait3A_182 : memref<2x640xf32, #tpu.memory_space<hbm>>) dst(%dma_wait3A_180 : memref<2x640xf32, #tpu.memory_space<vmem>>)
    %parallel_loop3A_183 = arith.constant 640 : i32
    %parallel_loop3A_184 = arith.constant 1280 : i32
    %parallel_loop3A_185 = arith.constant 16 : i32
    scf.for %parallel_loop3A_246 = %parallel_loop3A_183 to %parallel_loop3A_184 step %parallel_loop3A_185  : i32 {
      %parallel_loop3A_247 = arith.index_cast %parallel_loop3A_246 : i32 to index
      %parallel_loop3A_248 = tpu.vector_load %arg20[%parallel_loop3A_247] {strides = array<i32>} : memref<1280xf32, #tpu.memory_space<vmem>>, vector<16xf32>,
      %parallel_loop3A_249 = arith.constant 0.899999976 : f32
      %parallel_loop3A_250 = vector.broadcast %parallel_loop3A_249 : f32 to vector<16xf32>
      %parallel_loop3A_251 = arith.cmpf oge, %parallel_loop3A_248, %parallel_loop3A_250 : vector<16xf32>
      %parallel_loop3A_252 = arith.constant 1.000000e+00 : f32
      %parallel_loop3A_253 = arith.constant 0.000000e+00 : f32
      %parallel_loop3A_254 = vector.broadcast %parallel_loop3A_252 : f32 to vector<16xf32>
      %parallel_loop3A_255 = vector.broadcast %parallel_loop3A_253 : f32 to vector<16xf32>
      %parallel_loop3A_256 = arith.select %parallel_loop3A_251, %parallel_loop3A_254, %parallel_loop3A_255 : vector<16xi1>, vector<16xf32>
      %parallel_loop3A_257 = arith.constant 0 : i32
      %parallel_loop3A_258 = arith.index_cast %parallel_loop3A_257 : i32 to index
      %parallel_loop3A_259 = arith.index_cast %parallel_loop3A_246 : i32 to index
      %parallel_loop3A_260 = tpu.vector_load %arg18[%parallel_loop3A_258, %parallel_loop3A_259] {strides = array<i32>} : memref<7x1280xf32, #tpu.memory_space<vmem>>, vector<16xf32>,
      %parallel_loop3A_261 = arith.constant 0.000000e+00 : f32
      %parallel_loop3A_262 = vector.broadcast %parallel_loop3A_261 : f32 to vector<16xf32>
      %parallel_loop3A_263 = arith.subf %parallel_loop3A_262, %parallel_loop3A_260 : vector<16xf32>
      %parallel_loop3A_264 = math.exp %parallel_loop3A_263 : vector<16xf32>
      %parallel_loop3A_265 = arith.constant 1.000000e+00 : f32
      %parallel_loop3A_266 = vector.broadcast %parallel_loop3A_265 : f32 to vector<16xf32>
      %parallel_loop3A_267 = arith.addf %parallel_loop3A_266, %parallel_loop3A_264 : vector<16xf32>
      %parallel_loop3A_268 = arith.constant 1.000000e+00 : f32
      %parallel_loop3A_269 = vector.broadcast %parallel_loop3A_268 : f32 to vector<16xf32>
      %parallel_loop3A_270 = arith.divf %parallel_loop3A_269, %parallel_loop3A_267 : vector<16xf32>
      %parallel_loop3A_271 = arith.constant 1.57079637 : f32
      %parallel_loop3A_272 = vector.broadcast %parallel_loop3A_271 : f32 to vector<16xf32>
      %parallel_loop3A_273 = arith.mulf %parallel_loop3A_270, %parallel_loop3A_272 : vector<16xf32>
      %parallel_loop3A_274 = arith.addf %gather3A_89, %parallel_loop3A_273 : vector<16xf32>
      %parallel_loop3A_275 = arith.mulf %parallel_loop3A_274, %parallel_loop3A_256 : vector<16xf32>
      %parallel_loop3A_276 = arith.constant 0 : i32
      %parallel_loop3A_277 = arith.index_cast %parallel_loop3A_276 : i32 to index
      %parallel_loop3A_278 = arith.index_cast %parallel_loop3A_246 : i32 to index
      %parallel_loop3A_279 = tpu.vector_load %arg22[%parallel_loop3A_277, %parallel_loop3A_278] {strides = array<i32>} : memref<7x1280xf32, #tpu.memory_space<vmem>>, vector<16xf32>,
      tpu.vector_store %arg22[%parallel_loop3A_277, %parallel_loop3A_278], %parallel_loop3A_275 {strides = array<i32>} : memref<7x1280xf32, #tpu.memory_space<vmem>>, vector<16xf32>,
      %parallel_loop3A_280 = arith.constant 1 : i32
      %parallel_loop3A_281 = arith.index_cast %parallel_loop3A_280 : i32 to index
      %parallel_loop3A_282 = arith.index_cast %parallel_loop3A_246 : i32 to index
      %parallel_loop3A_283 = tpu.vector_load %arg18[%parallel_loop3A_281, %parallel_loop3A_282] {strides = array<i32>} : memref<7x1280xf32, #tpu.memory_space<vmem>>, vector<16xf32>,
      %parallel_loop3A_284 = arith.constant 0 : i32
      %parallel_loop3A_285 = arith.index_cast %parallel_loop3A_284 : i32 to index
      %parallel_loop3A_286 = arith.index_cast %parallel_loop3A_246 : i32 to index
      %parallel_loop3A_287 = tpu.vector_load %arg21[%parallel_loop3A_285, %parallel_loop3A_286] {strides = array<i32>} : memref<2x1280xf32, #tpu.memory_space<vmem>>, vector<16xf32>,
      %parallel_loop3A_288 = arith.constant 0.000000e+00 : f32
      %parallel_loop3A_289 = vector.broadcast %parallel_loop3A_288 : f32 to vector<16xf32>
      %parallel_loop3A_290 = arith.subf %parallel_loop3A_289, %parallel_loop3A_283 : vector<16xf32>
      %parallel_loop3A_291 = math.exp %parallel_loop3A_290 : vector<16xf32>
      %parallel_loop3A_292 = arith.constant 1.000000e+00 : f32
      %parallel_loop3A_293 = vector.broadcast %parallel_loop3A_292 : f32 to vector<16xf32>
      %parallel_loop3A_294 = arith.addf %parallel_loop3A_293, %parallel_loop3A_291 : vector<16xf32>
      %parallel_loop3A_295 = arith.constant 1.000000e+00 : f32
      %parallel_loop3A_296 = vector.broadcast %parallel_loop3A_295 : f32 to vector<16xf32>
      %parallel_loop3A_297 = arith.divf %parallel_loop3A_296, %parallel_loop3A_294 : vector<16xf32>
      %parallel_loop3A_298 = arith.addf %parallel_loop3A_297, %parallel_loop3A_287 : vector<16xf32>
      %parallel_loop3A_299 = arith.constant 5.000000e-01 : f32
      %parallel_loop3A_300 = vector.broadcast %parallel_loop3A_299 : f32 to vector<16xf32>
      %parallel_loop3A_301 = arith.addf %parallel_loop3A_298, %parallel_loop3A_300 : vector<16xf32>
      %parallel_loop3A_302 = arith.mulf %parallel_loop3A_301, %parallel_loop3A_256 : vector<16xf32>
      %parallel_loop3A_303 = arith.constant 1 : i32
      %parallel_loop3A_304 = arith.index_cast %parallel_loop3A_303 : i32 to index
      %parallel_loop3A_305 = arith.index_cast %parallel_loop3A_246 : i32 to index
      %parallel_loop3A_306 = tpu.vector_load %arg22[%parallel_loop3A_304, %parallel_loop3A_305] {strides = array<i32>} : memref<7x1280xf32, #tpu.memory_space<vmem>>, vector<16xf32>,
      tpu.vector_store %arg22[%parallel_loop3A_304, %parallel_loop3A_305], %parallel_loop3A_302 {strides = array<i32>} : memref<7x1280xf32, #tpu.memory_space<vmem>>, vector<16xf32>,
      %parallel_loop3A_307 = arith.constant 2 : i32
      %parallel_loop3A_308 = arith.index_cast %parallel_loop3A_307 : i32 to index
      %parallel_loop3A_309 = arith.index_cast %parallel_loop3A_246 : i32 to index
      %parallel_loop3A_310 = tpu.vector_load %arg18[%parallel_loop3A_308, %parallel_loop3A_309] {strides = array<i32>} : memref<7x1280xf32, #tpu.memory_space<vmem>>, vector<16xf32>,
      %parallel_loop3A_311 = arith.constant 1 : i32
      %parallel_loop3A_312 = arith.index_cast %parallel_loop3A_311 : i32 to index
      %parallel_loop3A_313 = arith.index_cast %parallel_loop3A_246 : i32 to index
      %parallel_loop3A_314 = tpu.vector_load %arg21[%parallel_loop3A_312, %parallel_loop3A_313] {strides = array<i32>} : memref<2x1280xf32, #tpu.memory_space<vmem>>, vector<16xf32>,
      %parallel_loop3A_315 = arith.constant 0.000000e+00 : f32
      %parallel_loop3A_316 = vector.broadcast %parallel_loop3A_315 : f32 to vector<16xf32>
      %parallel_loop3A_317 = arith.subf %parallel_loop3A_316, %parallel_loop3A_310 : vector<16xf32>
      %parallel_loop3A_318 = math.exp %parallel_loop3A_317 : vector<16xf32>
      %parallel_loop3A_319 = arith.constant 1.000000e+00 : f32
      %parallel_loop3A_320 = vector.broadcast %parallel_loop3A_319 : f32 to vector<16xf32>
      %parallel_loop3A_321 = arith.addf %parallel_loop3A_320, %parallel_loop3A_318 : vector<16xf32>
      %parallel_loop3A_322 = arith.constant 1.000000e+00 : f32
      %parallel_loop3A_323 = vector.broadcast %parallel_loop3A_322 : f32 to vector<16xf32>
      %parallel_loop3A_324 = arith.divf %parallel_loop3A_323, %parallel_loop3A_321 : vector<16xf32>
      %parallel_loop3A_325 = arith.addf %parallel_loop3A_324, %parallel_loop3A_314 : vector<16xf32>
      %parallel_loop3A_326 = arith.constant 5.000000e-01 : f32
      %parallel_loop3A_327 = vector.broadcast %parallel_loop3A_326 : f32 to vector<16xf32>
      %parallel_loop3A_328 = arith.addf %parallel_loop3A_325, %parallel_loop3A_327 : vector<16xf32>
      %parallel_loop3A_329 = arith.mulf %parallel_loop3A_328, %parallel_loop3A_256 : vector<16xf32>
      %parallel_loop3A_330 = arith.constant 2 : i32
      %parallel_loop3A_331 = arith.index_cast %parallel_loop3A_330 : i32 to index
      %parallel_loop3A_332 = arith.index_cast %parallel_loop3A_246 : i32 to index
      %parallel_loop3A_333 = tpu.vector_load %arg22[%parallel_loop3A_331, %parallel_loop3A_332] {strides = array<i32>} : memref<7x1280xf32, #tpu.memory_space<vmem>>, vector<16xf32>,
      tpu.vector_store %arg22[%parallel_loop3A_331, %parallel_loop3A_332], %parallel_loop3A_329 {strides = array<i32>} : memref<7x1280xf32, #tpu.memory_space<vmem>>, vector<16xf32>,
      %parallel_loop3A_334 = arith.constant 3 : i32
      %parallel_loop3A_335 = arith.index_cast %parallel_loop3A_334 : i32 to index
      %parallel_loop3A_336 = arith.index_cast %parallel_loop3A_246 : i32 to index
      %parallel_loop3A_337 = tpu.vector_load %arg18[%parallel_loop3A_335, %parallel_loop3A_336] {strides = array<i32>} : memref<7x1280xf32, #tpu.memory_space<vmem>>, vector<16xf32>,
      %parallel_loop3A_338 = arith.constant 0.000000e+00 : f32
      %parallel_loop3A_339 = vector.broadcast %parallel_loop3A_338 : f32 to vector<16xf32>
      %parallel_loop3A_340 = arith.subf %parallel_loop3A_339, %parallel_loop3A_337 : vector<16xf32>
      %parallel_loop3A_341 = math.exp %parallel_loop3A_340 : vector<16xf32>
      %parallel_loop3A_342 = arith.constant 1.000000e+00 : f32
      %parallel_loop3A_343 = vector.broadcast %parallel_loop3A_342 : f32 to vector<16xf32>
      %parallel_loop3A_344 = arith.addf %parallel_loop3A_343, %parallel_loop3A_341 : vector<16xf32>
      %parallel_loop3A_345 = arith.constant 1.000000e+00 : f32
      %parallel_loop3A_346 = vector.broadcast %parallel_loop3A_345 : f32 to vector<16xf32>
      %parallel_loop3A_347 = arith.divf %parallel_loop3A_346, %parallel_loop3A_344 : vector<16xf32>
      %parallel_loop3A_348 = arith.mulf %parallel_loop3A_347, %parallel_loop3A_256 : vector<16xf32>
      %parallel_loop3A_349 = arith.constant 3 : i32
      %parallel_loop3A_350 = arith.index_cast %parallel_loop3A_349 : i32 to index
      %parallel_loop3A_351 = arith.index_cast %parallel_loop3A_246 : i32 to index
      %parallel_loop3A_352 = tpu.vector_load %arg22[%parallel_loop3A_350, %parallel_loop3A_351] {strides = array<i32>} : memref<7x1280xf32, #tpu.memory_space<vmem>>, vector<16xf32>,
      tpu.vector_store %arg22[%parallel_loop3A_350, %parallel_loop3A_351], %parallel_loop3A_348 {strides = array<i32>} : memref<7x1280xf32, #tpu.memory_space<vmem>>, vector<16xf32>,
      %parallel_loop3A_353 = arith.constant 4 : i32
      %parallel_loop3A_354 = arith.index_cast %parallel_loop3A_353 : i32 to index
      %parallel_loop3A_355 = arith.index_cast %parallel_loop3A_246 : i32 to index
      %parallel_loop3A_356 = tpu.vector_load %arg18[%parallel_loop3A_354, %parallel_loop3A_355] {strides = array<i32>} : memref<7x1280xf32, #tpu.memory_space<vmem>>, vector<16xf32>,
      %parallel_loop3A_357 = math.exp %parallel_loop3A_356 : vector<16xf32>
      %parallel_loop3A_358 = arith.mulf %gather3A, %parallel_loop3A_357 : vector<16xf32>
      %parallel_loop3A_359 = arith.mulf %parallel_loop3A_358, %parallel_loop3A_256 : vector<16xf32>
      %parallel_loop3A_360 = arith.constant 4 : i32
      %parallel_loop3A_361 = arith.index_cast %parallel_loop3A_360 : i32 to index
      %parallel_loop3A_362 = arith.index_cast %parallel_loop3A_246 : i32 to index
      %parallel_loop3A_363 = tpu.vector_load %arg22[%parallel_loop3A_361, %parallel_loop3A_362] {strides = array<i32>} : memref<7x1280xf32, #tpu.memory_space<vmem>>, vector<16xf32>,
      tpu.vector_store %arg22[%parallel_loop3A_361, %parallel_loop3A_362], %parallel_loop3A_359 {strides = array<i32>} : memref<7x1280xf32, #tpu.memory_space<vmem>>, vector<16xf32>,
      %parallel_loop3A_364 = arith.constant 5 : i32
      %parallel_loop3A_365 = arith.index_cast %parallel_loop3A_364 : i32 to index
      %parallel_loop3A_366 = arith.index_cast %parallel_loop3A_246 : i32 to index
      %parallel_loop3A_367 = tpu.vector_load %arg18[%parallel_loop3A_365, %parallel_loop3A_366] {strides = array<i32>} : memref<7x1280xf32, #tpu.memory_space<vmem>>, vector<16xf32>,
      %parallel_loop3A_368 = math.exp %parallel_loop3A_367 : vector<16xf32>
      %parallel_loop3A_369 = arith.mulf %gather3A_80, %parallel_loop3A_368 : vector<16xf32>
      %parallel_loop3A_370 = arith.mulf %parallel_loop3A_369, %parallel_loop3A_256 : vector<16xf32>
      %parallel_loop3A_371 = arith.constant 5 : i32
      %parallel_loop3A_372 = arith.index_cast %parallel_loop3A_371 : i32 to index
      %parallel_loop3A_373 = arith.index_cast %parallel_loop3A_246 : i32 to index
      %parallel_loop3A_374 = tpu.vector_load %arg22[%parallel_loop3A_372, %parallel_loop3A_373] {strides = array<i32>} : memref<7x1280xf32, #tpu.memory_space<vmem>>, vector<16xf32>,
      tpu.vector_store %arg22[%parallel_loop3A_372, %parallel_loop3A_373], %parallel_loop3A_370 {strides = array<i32>} : memref<7x1280xf32, #tpu.memory_space<vmem>>, vector<16xf32>,
      %parallel_loop3A_375 = arith.constant 6 : i32
      %parallel_loop3A_376 = arith.index_cast %parallel_loop3A_375 : i32 to index
      %parallel_loop3A_377 = arith.index_cast %parallel_loop3A_246 : i32 to index
      %parallel_loop3A_378 = tpu.vector_load %arg18[%parallel_loop3A_376, %parallel_loop3A_377] {strides = array<i32>} : memref<7x1280xf32, #tpu.memory_space<vmem>>, vector<16xf32>,
      %parallel_loop3A_379 = math.exp %parallel_loop3A_378 : vector<16xf32>
      %parallel_loop3A_380 = arith.mulf %gather3A_83, %parallel_loop3A_379 : vector<16xf32>
      %parallel_loop3A_381 = arith.mulf %parallel_loop3A_380, %parallel_loop3A_256 : vector<16xf32>
      %parallel_loop3A_382 = arith.constant 6 : i32
      %parallel_loop3A_383 = arith.index_cast %parallel_loop3A_382 : i32 to index
      %parallel_loop3A_384 = arith.index_cast %parallel_loop3A_246 : i32 to index
      %parallel_loop3A_385 = tpu.vector_load %arg22[%parallel_loop3A_383, %parallel_loop3A_384] {strides = array<i32>} : memref<7x1280xf32, #tpu.memory_space<vmem>>, vector<16xf32>,
      tpu.vector_store %arg22[%parallel_loop3A_383, %parallel_loop3A_384], %parallel_loop3A_381 {strides = array<i32>} : memref<7x1280xf32, #tpu.memory_space<vmem>>, vector<16xf32>,
      %parallel_loop3A_386 = arith.constant 0 : i32
      %parallel_loop3A_387 = arith.index_cast %parallel_loop3A_386 : i32 to index
      %parallel_loop3A_388 = arith.index_cast %parallel_loop3A_246 : i32 to index
      %parallel_loop3A_389 = tpu.vector_load %arg19[%parallel_loop3A_387, %parallel_loop3A_388] {strides = array<i32>} : memref<4x1280xf32, #tpu.memory_space<vmem>>, vector<16xf32>,
      %parallel_loop3A_390 = arith.mulf %parallel_loop3A_389, %parallel_loop3A_256 : vector<16xf32>
      %parallel_loop3A_391 = arith.constant 0 : i32
      %parallel_loop3A_392 = arith.index_cast %parallel_loop3A_391 : i32 to index
      %parallel_loop3A_393 = arith.index_cast %parallel_loop3A_246 : i32 to index
      %parallel_loop3A_394 = tpu.vector_load %arg23[%parallel_loop3A_392, %parallel_loop3A_393] {strides = array<i32>} : memref<4x1280xf32, #tpu.memory_space<vmem>>, vector<16xf32>,
      tpu.vector_store %arg23[%parallel_loop3A_392, %parallel_loop3A_393], %parallel_loop3A_390 {strides = array<i32>} : memref<4x1280xf32, #tpu.memory_space<vmem>>, vector<16xf32>,
      %parallel_loop3A_395 = arith.constant 1 : i32
      %parallel_loop3A_396 = arith.index_cast %parallel_loop3A_395 : i32 to index
      %parallel_loop3A_397 = arith.index_cast %parallel_loop3A_246 : i32 to index
      %parallel_loop3A_398 = tpu.vector_load %arg19[%parallel_loop3A_396, %parallel_loop3A_397] {strides = array<i32>} : memref<4x1280xf32, #tpu.memory_space<vmem>>, vector<16xf32>,
      %parallel_loop3A_399 = arith.mulf %parallel_loop3A_398, %parallel_loop3A_256 : vector<16xf32>
      %parallel_loop3A_400 = arith.constant 1 : i32
      %parallel_loop3A_401 = arith.index_cast %parallel_loop3A_400 : i32 to index
      %parallel_loop3A_402 = arith.index_cast %parallel_loop3A_246 : i32 to index
      %parallel_loop3A_403 = tpu.vector_load %arg23[%parallel_loop3A_401, %parallel_loop3A_402] {strides = array<i32>} : memref<4x1280xf32, #tpu.memory_space<vmem>>, vector<16xf32>,
      tpu.vector_store %arg23[%parallel_loop3A_401, %parallel_loop3A_402], %parallel_loop3A_399 {strides = array<i32>} : memref<4x1280xf32, #tpu.memory_space<vmem>>, vector<16xf32>,
      %parallel_loop3A_404 = arith.constant 2 : i32
      %parallel_loop3A_405 = arith.index_cast %parallel_loop3A_404 : i32 to index
      %parallel_loop3A_406 = arith.index_cast %parallel_loop3A_246 : i32 to index
      %parallel_loop3A_407 = tpu.vector_load %arg19[%parallel_loop3A_405, %parallel_loop3A_406] {strides = array<i32>} : memref<4x1280xf32, #tpu.memory_space<vmem>>, vector<16xf32>,
      %parallel_loop3A_408 = arith.mulf %parallel_loop3A_407, %parallel_loop3A_256 : vector<16xf32>
      %parallel_loop3A_409 = arith.constant 2 : i32
      %parallel_loop3A_410 = arith.index_cast %parallel_loop3A_409 : i32 to index
      %parallel_loop3A_411 = arith.index_cast %parallel_loop3A_246 : i32 to index
      %parallel_loop3A_412 = tpu.vector_load %arg23[%parallel_loop3A_410, %parallel_loop3A_411] {strides = array<i32>} : memref<4x1280xf32, #tpu.memory_space<vmem>>, vector<16xf32>,
      tpu.vector_store %arg23[%parallel_loop3A_410, %parallel_loop3A_411], %parallel_loop3A_408 {strides = array<i32>} : memref<4x1280xf32, #tpu.memory_space<vmem>>, vector<16xf32>,
      %parallel_loop3A_413 = arith.constant 3 : i32
      %parallel_loop3A_414 = arith.index_cast %parallel_loop3A_413 : i32 to index
      %parallel_loop3A_415 = arith.index_cast %parallel_loop3A_246 : i32 to index
      %parallel_loop3A_416 = tpu.vector_load %arg19[%parallel_loop3A_414, %parallel_loop3A_415] {strides = array<i32>} : memref<4x1280xf32, #tpu.memory_space<vmem>>, vector<16xf32>,
      %parallel_loop3A_417 = arith.mulf %parallel_loop3A_416, %parallel_loop3A_256 : vector<16xf32>
      %parallel_loop3A_418 = arith.constant 3 : i32
      %parallel_loop3A_419 = arith.index_cast %parallel_loop3A_418 : i32 to index
      %parallel_loop3A_420 = arith.index_cast %parallel_loop3A_246 : i32 to index
      %parallel_loop3A_421 = tpu.vector_load %arg23[%parallel_loop3A_419, %parallel_loop3A_420] {strides = array<i32>} : memref<4x1280xf32, #tpu.memory_space<vmem>>, vector<16xf32>,
      tpu.vector_store %arg23[%parallel_loop3A_419, %parallel_loop3A_420], %parallel_loop3A_417 {strides = array<i32>} : memref<4x1280xf32, #tpu.memory_space<vmem>>, vector<16xf32>,
    } {sc.loop_unroll_factor = 2 : i64, sc.parallel_access}
    %dma_start3A_186 = arith.constant 0 : i32
    %dma_start3A_187 = arith.constant 640 : i32
    %dma_start3A_188 = tpu.memref_slice %arg22[%dma_start3A_186, %dma_start3A_187] : memref<7x1280xf32, #tpu.memory_space<vmem>> -> memref<7x640xf32, #tpu.memory_space<vmem>>
    %dma_start3A_189 = arith.constant 0 : i32
    %dma_start3A_190 = tpu.memref_slice %arg14[%dma_start3A_189, %mul3A_5] : memref<7x20000xf32, #tpu.memory_space<hbm>> -> memref<7x640xf32, #tpu.memory_space<hbm>>
    %dma_start3A_191 = arith.constant 0 : i32
    %dma_start3A_192 = tpu.memref_slice %arg14[%dma_start3A_191, %mul3A_5] : memref<7x20000xf32, #tpu.memory_space<hbm>> -> memref<7x640xf32, #tpu.memory_space<hbm>>
    %dma_start3A_193 = arith.constant 0 : i32
    %dma_start3A_194 = arith.constant 640 : i32
    %dma_start3A_195 = tpu.memref_slice %arg22[%dma_start3A_193, %dma_start3A_194] : memref<7x1280xf32, #tpu.memory_space<vmem>> -> memref<7x640xf32, #tpu.memory_space<vmem>>
    tpu.enqueue_dma source(%dma_start3A_195 : memref<7x640xf32, #tpu.memory_space<vmem>>) target(%dma_start3A_192 : memref<7x640xf32, #tpu.memory_space<hbm>>) target_semaphore(%arg26 : memref<!tpu.dma_semaphore, #tpu.memory_space<semaphore_mem>>)
    %dma_start3A_196 = arith.constant 0 : i32
    %dma_start3A_197 = arith.constant 640 : i32
    %dma_start3A_198 = tpu.memref_slice %arg23[%dma_start3A_196, %dma_start3A_197] : memref<4x1280xf32, #tpu.memory_space<vmem>> -> memref<4x640xf32, #tpu.memory_space<vmem>>
    %dma_start3A_199 = arith.constant 0 : i32
    %dma_start3A_200 = tpu.memref_slice %arg15[%dma_start3A_199, %mul3A_5] : memref<4x20000xf32, #tpu.memory_space<hbm>> -> memref<4x640xf32, #tpu.memory_space<hbm>>
    %dma_start3A_201 = arith.constant 0 : i32
    %dma_start3A_202 = tpu.memref_slice %arg15[%dma_start3A_201, %mul3A_5] : memref<4x20000xf32, #tpu.memory_space<hbm>> -> memref<4x640xf32, #tpu.memory_space<hbm>>
    %dma_start3A_203 = arith.constant 0 : i32
    %dma_start3A_204 = arith.constant 640 : i32
    %dma_start3A_205 = tpu.memref_slice %arg23[%dma_start3A_203, %dma_start3A_204] : memref<4x1280xf32, #tpu.memory_space<vmem>> -> memref<4x640xf32, #tpu.memory_space<vmem>>
    tpu.enqueue_dma source(%dma_start3A_205 : memref<4x640xf32, #tpu.memory_space<vmem>>) target(%dma_start3A_202 : memref<4x640xf32, #tpu.memory_space<hbm>>) target_semaphore(%arg26 : memref<!tpu.dma_semaphore, #tpu.memory_space<semaphore_mem>>)
    %dma_wait3A_206 = arith.constant 0 : i32
    %dma_wait3A_207 = arith.constant 0 : i32
    %dma_wait3A_208 = tpu.memref_slice %arg22[%dma_wait3A_206, %dma_wait3A_207] : memref<7x1280xf32, #tpu.memory_space<vmem>> -> memref<7x640xf32, #tpu.memory_space<vmem>>
    %dma_wait3A_209 = arith.constant 0 : i32
    %dma_wait3A_210 = tpu.memref_slice %arg12[%dma_wait3A_209, %mul3A_5] : memref<7x20000xf32, #tpu.memory_space<hbm>> -> memref<7x640xf32, #tpu.memory_space<hbm>>
    %dma_wait3A_211 = arith.constant 0 : i32
    %dma_wait3A_212 = tpu.memref_slice %arg12[%dma_wait3A_211, %mul3A_5] : memref<7x20000xf32, #tpu.memory_space<hbm>> -> memref<7x640xf32, #tpu.memory_space<hbm>>
    %dma_wait3A_213 = arith.constant 0 : i32
    %dma_wait3A_214 = arith.constant 0 : i32
    %dma_wait3A_215 = tpu.memref_slice %arg22[%dma_wait3A_213, %dma_wait3A_214] : memref<7x1280xf32, #tpu.memory_space<vmem>> -> memref<7x640xf32, #tpu.memory_space<vmem>>
    tpu.wait_dma2 semaphore(%arg26 : memref<!tpu.dma_semaphore, #tpu.memory_space<semaphore_mem>>) src(%dma_wait3A_215 : memref<7x640xf32, #tpu.memory_space<vmem>>) dst(%dma_wait3A_212 : memref<7x640xf32, #tpu.memory_space<hbm>>)
    %dma_wait3A_216 = arith.constant 0 : i32
    %dma_wait3A_217 = arith.constant 0 : i32
    %dma_wait3A_218 = tpu.memref_slice %arg23[%dma_wait3A_216, %dma_wait3A_217] : memref<4x1280xf32, #tpu.memory_space<vmem>> -> memref<4x640xf32, #tpu.memory_space<vmem>>
    %dma_wait3A_219 = arith.constant 0 : i32
    %dma_wait3A_220 = tpu.memref_slice %arg13[%dma_wait3A_219, %mul3A_5] : memref<4x20000xf32, #tpu.memory_space<hbm>> -> memref<4x640xf32, #tpu.memory_space<hbm>>
    %dma_wait3A_221 = arith.constant 0 : i32
    %dma_wait3A_222 = tpu.memref_slice %arg13[%dma_wait3A_221, %mul3A_5] : memref<4x20000xf32, #tpu.memory_space<hbm>> -> memref<4x640xf32, #tpu.memory_space<hbm>>
    %dma_wait3A_223 = arith.constant 0 : i32
    %dma_wait3A_224 = arith.constant 0 : i32
    %dma_wait3A_225 = tpu.memref_slice %arg23[%dma_wait3A_223, %dma_wait3A_224] : memref<4x1280xf32, #tpu.memory_space<vmem>> -> memref<4x640xf32, #tpu.memory_space<vmem>>
    tpu.wait_dma2 semaphore(%arg26 : memref<!tpu.dma_semaphore, #tpu.memory_space<semaphore_mem>>) src(%dma_wait3A_225 : memref<4x640xf32, #tpu.memory_space<vmem>>) dst(%dma_wait3A_222 : memref<4x640xf32, #tpu.memory_space<hbm>>)
    %dma_wait3A_226 = arith.constant 0 : i32
    %dma_wait3A_227 = arith.constant 640 : i32
    %dma_wait3A_228 = tpu.memref_slice %arg22[%dma_wait3A_226, %dma_wait3A_227] : memref<7x1280xf32, #tpu.memory_space<vmem>> -> memref<7x640xf32, #tpu.memory_space<vmem>>
    %dma_wait3A_229 = arith.constant 0 : i32
    %dma_wait3A_230 = tpu.memref_slice %arg14[%dma_wait3A_229, %mul3A_5] : memref<7x20000xf32, #tpu.memory_space<hbm>> -> memref<7x640xf32, #tpu.memory_space<hbm>>
    %dma_wait3A_231 = arith.constant 0 : i32
    %dma_wait3A_232 = tpu.memref_slice %arg14[%dma_wait3A_231, %mul3A_5] : memref<7x20000xf32, #tpu.memory_space<hbm>> -> memref<7x640xf32, #tpu.memory_space<hbm>>
    %dma_wait3A_233 = arith.constant 0 : i32
    %dma_wait3A_234 = arith.constant 640 : i32
    %dma_wait3A_235 = tpu.memref_slice %arg22[%dma_wait3A_233, %dma_wait3A_234] : memref<7x1280xf32, #tpu.memory_space<vmem>> -> memref<7x640xf32, #tpu.memory_space<vmem>>
    tpu.wait_dma2 semaphore(%arg26 : memref<!tpu.dma_semaphore, #tpu.memory_space<semaphore_mem>>) src(%dma_wait3A_235 : memref<7x640xf32, #tpu.memory_space<vmem>>) dst(%dma_wait3A_232 : memref<7x640xf32, #tpu.memory_space<hbm>>)
    %dma_wait3A_236 = arith.constant 0 : i32
    %dma_wait3A_237 = arith.constant 640 : i32
    %dma_wait3A_238 = tpu.memref_slice %arg23[%dma_wait3A_236, %dma_wait3A_237] : memref<4x1280xf32, #tpu.memory_space<vmem>> -> memref<4x640xf32, #tpu.memory_space<vmem>>
    %dma_wait3A_239 = arith.constant 0 : i32
    %dma_wait3A_240 = tpu.memref_slice %arg15[%dma_wait3A_239, %mul3A_5] : memref<4x20000xf32, #tpu.memory_space<hbm>> -> memref<4x640xf32, #tpu.memory_space<hbm>>
    %dma_wait3A_241 = arith.constant 0 : i32
    %dma_wait3A_242 = tpu.memref_slice %arg15[%dma_wait3A_241, %mul3A_5] : memref<4x20000xf32, #tpu.memory_space<hbm>> -> memref<4x640xf32, #tpu.memory_space<hbm>>
    %dma_wait3A_243 = arith.constant 0 : i32
    %dma_wait3A_244 = arith.constant 640 : i32
    %dma_wait3A_245 = tpu.memref_slice %arg23[%dma_wait3A_243, %dma_wait3A_244] : memref<4x1280xf32, #tpu.memory_space<vmem>> -> memref<4x640xf32, #tpu.memory_space<vmem>>
    tpu.wait_dma2 semaphore(%arg26 : memref<!tpu.dma_semaphore, #tpu.memory_space<semaphore_mem>>) src(%dma_wait3A_245 : memref<4x640xf32, #tpu.memory_space<vmem>>) dst(%dma_wait3A_242 : memref<4x640xf32, #tpu.memory_space<hbm>>)
    return
  }
}

</mosaic_0001>

<sc_bundles>
// kernel: kernel.3.cloned.1.call-start
scs
__scs_entry_jumppad:
0x0: {  	(pc) =	sbr.rel $0x88, $3  }
0x1: {  	(tag) =	ssettag $0x0;
	lr =	simm.s32 $0x1  }
0x2: {  	[smem:$0x3F97] =	sst lr;
	_ =	strace $0xD0000000  }
0x3: {  	_ = 	snop  }
0x4: {  	_ = 	snop  }
0x5: {  	_ = 	snop  }
0x6: {  	_ = 	snop  }
0x7: {  	_ = 	snop  }
__scs_overlays_trampoline_lowered:
0x8: {  	[smem:$0x3FA6] =	sst s0  }
0x9: {  	[smem:$0x3FA7] =	sst s1  }
0xa: {  	[smem:$0x3FA8] =	sst s2  }
0xb: {  	[smem:$0x3FA9] =	sst s3  }
0xc: {  	[smem:$0x3FAA] =	sst s4  }
0xd: {  	[smem:$0x3FAB] =	sst s5  }
0xe: {  	[smem:$0x3FAC] =	sst s6  }
0xf: {  	[smem:$0x3FAD] =	sst s7  }
0x10: {  	[smem:$0x3FAE] =	sst s8  }
0x11: {  	[smem:$0x3FAF] =	sst s9;
	s0 =	simm.s32 @!p0 $0x0  }
0x12: {  	s1 =	sld [smem:$0x3F95];
	s0 =	simm.s32 @p0 $0x1  }
0x13: {  	[smem:$0x3FB0] =	sst s0;
	s0 =	simm.s32 @!p1 $0x0  }
0x14: {  	s2 =	sld [smem:$0x3F94];
	s0 =	simm.s32 @p1 $0x1  }
0x15: {  	[smem:$0x3FB1] =	sst s0;
	s0 =	simm.s32 @!p2 $0x0  }
0x16: {  	s3 =	sld [smem:$0x3FDB];
	s0 =	simm.s32 @p2 $0x1  }
0x17: {  	s4 =	simm.s32 $0x1BF5;
	[smem:$0x3FB3] =	sst s0  }
0x18: {  	s0 =	sld [smem:$0x3F96];
	_ =	swait.ge [sflag:s4], $0x0  }
0x19: {  	s7 =	sld [smem:$0x3F97]  }
0x1a: {  	s8 =	sadd.s32 $0xFFFFE003, lr  }
0x1b: {  	s9 =	sadd.s32 $0xFFFFFEF7, lr;
	s5 =	simm.s32 $0xFFFFFFFF;
	p2 =	slt.u32 s8, $0xFFFFF086  }
0x1c: {  	p1 =	slt.u32 s9, $0xF7A;
	s5 =	simm.s32 @!p2 $0x0  }
0x1d: {  	s5 =	simm.s32 @p1 $0x1;
	p0 =	seq.s32 s7, s2  }
0x1e: {  	s7 =	smul.u32 @!p0 $0xF7A, s2;
	p2 =	seq.s32 @!p0 s5, $0x0  }
0x1f: {  	s9 =	smul.u32 $0xF7A, s1;
	s8 =	simm.s32 @!p0 $0x1BF5;
	p2 =	por !p2, p0  }
0x20: {  	[sflag:s8] =	ssyncset.s32 @!p0 $0xFFFFF086;
	s6 =	sadd.s32 @!p0 s3, s7;
	s7 =	simm.s32 @!p0 $0x108  }
0x21: {  	s3 =	sadd.s32 s3, s9;
	s6 =	sadd.s32 @!p0 $0x88, s6;
	s7 =	simm.s32 @p2 $0x1082  }
0x22: {  	[simem:s7], [sflag:s8] =	dma.local @!p0 [hbm:s6], $0xF7A  }
0x23: {  	s9 =	sor.u32 $0xD0000000, s2;
	s6 =	simm.s32 $0x108;
	_ =	swait.ge @!p0 [sflag:s8], $0x0  }
0x24: {  	s3 =	sadd.s32 $0x88, s3;
	s6 =	simm.s32 @!p1 $0x1082;
	[sflag:s4] =	ssyncset.s32 $0xFFFFF086  }
0x25: {  	[simem:s6], [sflag:s4] =	dma.local [hbm:s3], $0xF7A  }
0x26: {  	[smem:$0x3F97] =	sst s1;
	(tag) =	ssettag s2;
	_ =	strace s9  }
0x27: {  	s1 =	sld [smem:$0x3FA7]  }
0x28: {  	s2 =	sld [smem:$0x3FA8]  }
0x29: {  	s4 =	sld [smem:$0x3FAA]  }
0x2a: {  	p0 =	seq.s32 s5, $0x0;
	s5 =	sld [smem:$0x3FAB]  }
0x2b: {  	s6 =	sld [smem:$0x3FAC]  }
0x2c: {  	s7 =	sld [smem:$0x3FAD]  }
0x2d: {  	s3 =	simm.s32 $0x108;
	s8 =	sld [smem:$0x3FAE]  }
0x2e: {  	s3 =	simm.s32 @!p0 $0x1082;
	s9 =	sld [smem:$0x3FAF]  }
0x2f: {  	lr =	sadd.s32 s0, s3;
	s0 =	sld [smem:$0x3FA6]  }
0x30: {  	s3 =	sld [smem:$0x3FA9]  }
0x31: {  	[smem:$0x3FB2] =	sst s10  }
0x32: {  	s10 =	sld [smem:$0x3FB0];
	_ =	sdelay $0x3  }
0x33: {  	p0 =	seq.s32 s10, $0x1;
	s10 =	sld [smem:$0x3FB2];
	_ =	sdelay $0x3  }
0x34: {  	[smem:$0x3FB2] =	sst s10  }
0x35: {  	s10 =	sld [smem:$0x3FB1];
	_ =	sdelay $0x3  }
0x36: {  	p1 =	seq.s32 s10, $0x1;
	s10 =	sld [smem:$0x3FB2];
	_ =	sdelay $0x3  }
0x37: {  	[smem:$0x3FB2] =	sst s10  }
0x38: {  	s10 =	sld [smem:$0x3FB3]  }
0x39: {  	_ = 	snop;
	(pc) =	sbr.ind lr, $3  }
0x3a: {  	_ = 	snop  }
0x3b: {  	_ = 	snop  }
0x3c: {  	p2 =	seq.s32 s10, $0x1;
	s10 =	sld [smem:$0x3FB2]  }
0x3d: {  	_ =	shalt  }
0x3e: {  	_ =	shalt  }
0x3f: {  	_ =	shalt  }
0x40: {  	_ =	shalt  }
0x41: {  	_ =	shalt  }
0x42: {  	_ =	shalt  }
0x43: {  	_ =	shalt  }
0x44: {  	_ =	shalt  }
0x45: {  	_ =	shalt  }
0x46: {  	_ =	shalt  }
0x47: {  	_ =	shalt  }
0x48: {  	_ =	shalt  }
0x49: {  	_ =	shalt  }
0x4a: {  	_ =	shalt  }
0x4b: {  	_ =	shalt  }
0x4c: {  	_ =	shalt  }
0x4d: {  	_ =	shalt  }
0x4e: {  	_ =	shalt  }
0x4f: {  	_ =	shalt  }
0x50: {  	_ =	shalt  }
0x51: {  	_ =	shalt  }
0x52: {  	_ =	shalt  }
0x53: {  	_ =	shalt  }
0x54: {  	_ =	shalt  }
0x55: {  	_ =	shalt  }
0x56: {  	_ =	shalt  }
0x57: {  	_ =	shalt  }
0x58: {  	_ =	shalt  }
0x59: {  	_ =	shalt  }
0x5a: {  	_ =	shalt  }
0x5b: {  	_ =	shalt  }
0x5c: {  	_ =	shalt  }
0x5d: {  	_ =	shalt  }
0x5e: {  	_ =	shalt  }
0x5f: {  	_ =	shalt  }
0x60: {  	_ =	shalt  }
0x61: {  	_ =	shalt  }
0x62: {  	_ =	shalt  }
0x63: {  	_ =	shalt  }
0x64: {  	_ =	shalt  }
0x65: {  	_ =	shalt  }
0x66: {  	_ =	shalt  }
0x67: {  	_ =	shalt  }
0x68: {  	_ =	shalt  }
0x69: {  	_ =	shalt  }
0x6a: {  	_ =	shalt  }
0x6b: {  	_ =	shalt  }
0x6c: {  	_ =	shalt  }
0x6d: {  	_ =	shalt  }
0x6e: {  	_ =	shalt  }
0x6f: {  	_ =	shalt  }
0x70: {  	_ =	shalt  }
0x71: {  	_ =	shalt  }
0x72: {  	_ =	shalt  }
0x73: {  	_ =	shalt  }
0x74: {  	_ =	shalt  }
0x75: {  	_ =	shalt  }
0x76: {  	_ =	shalt  }
0x77: {  	_ =	shalt  }
0x78: {  	_ =	shalt  }
0x79: {  	_ =	shalt  }
0x7a: {  	_ =	shalt  }
0x7b: {  	_ =	shalt  }
0x7c: {  	_ =	shalt  }
0x7d: {  	_ =	shalt  }
0x7e: {  	_ =	shalt  }
0x7f: {  	_ =	shalt  }
0x80: {  	_ =	shalt  }
0x81: {  	_ =	shalt  }
0x82: {  	_ =	shalt  }
0x83: {  	_ =	shalt  }
0x84: {  	_ =	shalt  }
0x85: {  	_ =	shalt  }
0x86: {  	_ =	shalt  }
0x87: {  	_ =	shalt  }
.Lfunc_end0:
.L_simem_size_0:
called_computation_lowered:
.L_overlay_start_0:
0x88: {  	s2 =	sld [smem:$0x3FD9]  }
0x89: {  	s3 =	sld [smem:$0x3FFE];
	_ =	sdelay $0x1  }
0x8a: {  	s1 =	srdreg.scid  }
0x8b: {  	s0 =	sand.u32 $0x1, s1  }
0x8c: {  	s25 =	sshll.u32 s0, $0xA;
	s2 =	sadd.s32 s3, s2  }
0x8d: {  	s2 =	sadd.s32 s2, s25  }
0x8e: {  	[smem:$0x3FBE] =	sst s2  }
0x8f: {  	_ = 	snop  }
0x90: {  	s2 =	sld [smem:$0x3FC9]  }
0x91: {  	s3 =	sld [smem:$0x3FC8]  }
0x92: {  	s4 =	sld [smem:$0x3FC7]  }
0x93: {  	s5 =	sld [smem:$0x3FC6]  }
0x94: {  	s6 =	sld [smem:$0x3FC5]  }
0x95: {  	s7 =	sld [smem:$0x3FC4]  }
0x96: {  	s8 =	sld [smem:$0x3FC3]  }
0x97: {  	s12 =	sld [smem:$0x3FD0]  }
0x98: {  	s9 =	sld [smem:$0x3FC2]  }
0x99: {  	s10 =	sld [smem:$0x3FC1]  }
0x9a: {  	s15 =	simm.s32 $0xA;
	s13 =	simm.s32 $0x10;
	s11 =	sld [smem:$0x3FC0]  }
0x9b: {  	[smem:s13], [sflag:s15] =	dma.local [hbm:s12], $0x1  }
0x9c: {  	_ =	swait.eq [sflag:s15], $0x1  }
0x9d: {  	s12 =	sld [smem:$0x10]  }
0x9e: {  	s13 =	sld [smem:$0x11];
	[sflag:s15] =	ssyncset.done $0x0  }
0x9f: {  	s14 =	sld [smem:$0x12];
	[sflag:s15] =	ssyncadd.s32 $0xFFFFFFFF  }
0xa0: {  	s15 =	sld [smem:$0x13];
	(tm) =	ssettm $0x1  }
0xa1: {  	s16 =	sld [smem:$0x3FFB];
	_ =	sdelay $0x3  }
0xa2: {  	_ =	strace s16  }
0xa3: {  	s16 =	sld [smem:$0x3FFC];
	_ =	sdelay $0x3  }
0xa4: {  	_ =	strace s16  }
0xa5: {  	s16 =	sld [smem:$0x3FFD];
	_ =	sdelay $0x3  }
0xa6: {  	_ =	strace s16  }
0xa7: {  	_ =	strace $0x8FFFFFFF  }
0xa8: {  	s26 =	sld [smem:$0x3FDB];
	_ =	sdelay $0x1  }
0xa9: {  	s17 =	simm.s32 $_scs_section_size  }
0xaa: {  	s18 =	simm.s32 $_size__tile_task_arg_handler_lowered;
	s19 =	simm.s32 $_tile_task_arg_handler_lowered  }
0xab: {  	s30 =	simm.s32 $0x1BFF;
	s29 =	sshll.u32 s19, $0x1;
	s17 =	sadd.s32 s17, s26  }
0xac: {  	s20 =	simm.s32 $0x60;
	s28 =	sshll.u32 s18, $0x1;
	s18 =	sadd.s32 s29, s17  }
0xad: {  	[timem:s20], [sflag:s30] =	dma.local [hbm:s18], s28  }
0xae: {  	_ =	swait.ge [sflag:s30], s28  }
0xaf: {  	s31 =	simm.s32 $_tile_overlayer_lowered;
	s16 =	ssub.s32 $0x0, s28;
	[sflag:s30] =	ssyncset.done $0x0  }
0xb0: {  	s20 =	simm.s32 $_size__tile_overlayer_lowered;
	s18 =	sshll.u32 s31, $0x1;
	[sflag:s30] =	ssyncadd.s32 s16  }
0xb1: {  	s22 =	simm.s32 $0x0;
	s21 =	sshll.u32 s20, $0x1;
	s18 =	sadd.s32 s18, s17  }
0xb2: {  	[timem:s22], [sflag:s30] =	dma.local [hbm:s18], s21  }
0xb3: {  	_ =	swait.ge [sflag:s30], s21  }
0xb4: {  	s23 =	ssub.s32 $0x0, s21;
	[sflag:s30] =	ssyncset.done $0x0  }
0xb5: {  	[sflag:s30] =	ssyncadd.s32 s23;
	_ =	sdelay $0x1  }
0xb6: {  	s24 =	simm.s32 $0x1B8B  }
0xb7: {  	_ =	swait.ge [sflag:s24], $0x1  }
0xb8: {  	[sflag:s24] =	ssyncset.done $0x0  }
0xb9: {  	s25 =	simm.s32 $0x1B8E;
	[sflag:s24] =	ssyncadd.s32 $0xFFFFFFFF  }
0xba: {  	s26 =	simm.s32 $execute0_lowered;
	[smem:$0x3FD2] =	sst s25  }
0xbb: {  	s18 =	sshll.u32 s26, $0x1;
	_ =	strace $0x80000046;
	[dreg:$0x1] =	wrdreg $0xFFFFFFFF  }
0xbc: {  	s28 =	simm.s32 $_size_execute0_lowered;
	s17 =	sadd.s32 s17, s18;
	[dreg:$0x0] =	wrdreg $0x0  }
0xbd: {  	s18 =	sshll.u32 s28, $0x1;
	[dreg:$0x2] =	wrdreg s17  }
0xbe: {  	[dreg:$0x3] =	wrdreg s18  }
0xbf: {  	[dreg:$0x4] =	wrdreg $0xC0  }
0xc0: {  	_ =	task [dreg:s22], $0x5FFFF  }
0xc1: {  	[dreg:$0x1] =	wrdreg $0xFFFFFFFF  }
0xc2: {  	[dreg:$0x0] =	wrdreg $0x30  }
0xc3: {  	[dreg:$0x2] =	wrdreg $0x0  }
0xc4: {  	[dreg:$0x3] =	wrdreg $0x9  }
0xc5: {  	_ =	task [dreg:s22], $0x4FFFF  }
0xc6: {  	[dreg:$0x1] =	wrdreg $0xFFFFFFFF  }
0xc7: {  	[dreg:$0x0] =	wrdreg $0x60  }
0xc8: {  	[dreg:$0x2] =	wrdreg s2  }
0xc9: {  	[dreg:$0x3] =	wrdreg s3  }
0xca: {  	[dreg:$0x4] =	wrdreg s4  }
0xcb: {  	[dreg:$0x5] =	wrdreg s5  }
0xcc: {  	[dreg:$0x6] =	wrdreg s6  }
0xcd: {  	[dreg:$0x7] =	wrdreg s7  }
0xce: {  	[dreg:$0x8] =	wrdreg s8  }
0xcf: {  	[dreg:$0x9] =	wrdreg s9  }
0xd0: {  	[dreg:$0xa] =	wrdreg s10  }
0xd1: {  	[dreg:$0xb] =	wrdreg s11  }
0xd2: {  	[dreg:$0xc] =	wrdreg s12  }
0xd3: {  	[dreg:$0xd] =	wrdreg s13  }
0xd4: {  	[dreg:$0xe] =	wrdreg s14  }
0xd5: {  	[dreg:$0xf] =	wrdreg s15  }
0xd6: {  	_ =	task.clear_ibuf [dreg:s22], $0x10FFFF;
	_ =	strace $0x90000046  }
0xd7: {  	s29 =	simm.s32 $0x9;
	_ =	strace $0x80000048  }
0xd8: {  	_ =	swait.ge [sflag:s29], $0x1  }
0xd9: {  	[sflag:s29] =	ssyncadd.s32 $0xFFFFFFFF  }
0xda: {  	_ =	strace $0x90000048  }
0xdb: {  	_ =	sfence  }
0xdc: {  	s30 =	sld [smem:$0x0];
	_ =	sdelay $0x2  }
0xdd: {  	s31 =	sshll.u32 s1, $0xD;
	s1 =	sshrl.u32 s1, $0x2  }
0xde: {  	s3 =	sand.u32 $0x4000, s31;
	s1 =	sadd.s32 s1, s30  }
0xdf: {  	s0 =	sor.u32 s3, s0;
	s1 =	sshll.u32 s1, $0x11  }
0xe0: {  	s0 =	sor.u32 s1, s0  }
0xe1: {  	s0 =	sadd.s32 $0x8F2B, s0  }
0xe2: {  	[sflag:s0] =	ssyncadd.remote.s32 $0x1  }
0xe3: {  	_ =	sfence.sel $0xFFFF  }
0xe4: {  	[dreg:$0x0] =	wrdreg $0xFFFFFFFF;
	(pc) =	sbr.abs _section_cstart, $3  }
0xe5: {  	[dreg:$0x1] =	wrdreg $0xFFFFFFFF  }
0xe6: {  	_ =	task.clear_ibuf [dreg:s22], $0x2FFFF;
	_ =	strace $0x9FFFFFFF  }
0xe7: {  	(tm) =	ssettm $0x7FFFFFFF  }
tec
_tile_task_arg_handler_lowered:
.L_overlay_start_1:
0x0: {  	(tag) =	ssettag $0x1  }
0x1: {  	s0 =	rddreg [dreg:$0x0]  }
0x2: {  	s1 =	rddreg [dreg:$0x1]  }
0x3: {  	s2 =	rddreg [dreg:$0x2]  }
0x4: {  	s3 =	rddreg [dreg:$0x3]  }
0x5: {  	s4 =	rddreg [dreg:$0x4]  }
0x6: {  	s5 =	rddreg [dreg:$0x5]  }
0x7: {  	s6 =	rddreg [dreg:$0x6]  }
0x8: {  	s7 =	rddreg [dreg:$0x7]  }
0x9: {  	s8 =	rddreg [dreg:$0x8]  }
0xa: {  	s9 =	rddreg [dreg:$0x9]  }
0xb: {  	s10 =	rddreg [dreg:$0xa]  }
0xc: {  	s11 =	rddreg [dreg:$0xb]  }
0xd: {  	s12 =	rddreg [dreg:$0xc]  }
0xe: {  	s13 =	rddreg [dreg:$0xd]  }
0xf: {  	[smem:s0] =	sst s1  }
0x10: {  	[smem:s0+$0x1] =	sst s2  }
0x11: {  	[smem:s0+$0x2] =	sst s3  }
0x12: {  	[smem:s0+$0x3] =	sst s4  }
0x13: {  	[smem:s0+$0x4] =	sst s5  }
0x14: {  	[smem:s0+$0x5] =	sst s6  }
0x15: {  	[smem:s0+$0x6] =	sst s7  }
0x16: {  	[smem:s0+$0x7] =	sst s8  }
0x17: {  	[smem:s0+$0x8] =	sst s9  }
0x18: {  	[smem:s0+$0x9] =	sst s10  }
0x19: {  	[smem:s0+$0xA] =	sst s11  }
0x1a: {  	[smem:s0+$0xB] =	sst s12  }
0x1b: {  	[smem:s0+$0xC] =	sst s13;
	_ =	shalt  }
.Lfunc_end2:
execute0_lowered:
.L_overlay_start_2:
0x1c: {  	(tag) =	ssettag $0x2  }
0x1d: {  	s0 =	rddreg [dreg:$0x0]  }
0x1e: {  	s1 =	rddreg [dreg:$0x1]  }
0x1f: {  	s2 =	rddreg [dreg:$0x2]  }
0x20: {  	s3 =	rddreg [dreg:$0x3]  }
0x21: {  	s5 =	rddreg [dreg:$0x4]  }
0x22: {  	s6 =	rddreg [dreg:$0x5]  }
0x23: {  	s7 =	rddreg [dreg:$0x6]  }
0x24: {  	s8 =	rddreg [dreg:$0x7]  }
0x25: {  	s9 =	rddreg [dreg:$0xa];
	s4 =	srdreg.scid  }
0x26: {  	s12 =	stileid.u32;
	s10 =	rddreg [dreg:$0xb];
	s20 =	simm.s32 $0x0  }
0x27: {  	s11 =	sand.u32 $0x1, s4;
	s18 =	sshll.u32 s12, $0x1;
	[smem:$0x7FF] =	sst s20  }
0x28: {  	s13 =	sor.u32 s11, s18;
	s4 =	sld [smem:$0x0]  }
0x29: {  	s19 =	rddreg [dreg:$0xc];
	s11 =	ssub.s32 $0x2, s11;
	s13 =	smul.u32 $0x5, s13  }
0x2a: {  	s14 =	rddreg [dreg:$0xd];
	s15 =	sshrl.u32 s11, $0x1  }
0x2b: {  	s11 =	ssub.s32 s11, s15;
	[dreg:$0xe] =	wrdreg s4;
	s13 =	smin.u32 s13, $0x98  }
0x2c: {  	s31 =	smax.u32 s11, $0x1;
	_ =	strace $0x80000047;
	s16 =	sshll.u32 s13, $0x7  }
0x2d: {  	s21 =	sshll.u32 s13, $0x6;
	[dreg:$0x1b] =	wrdreg s31;
	s0 =	sadd.s32 s0, s16  }
0x2e: {  	s22 =	sshll.u32 s13, $0x4;
	s1 =	sadd.s32 s1, s21;
	[dreg:$0xf] =	wrdreg s0  }
0x2f: {  	s13 =	sshll.u32 s13, $0x5;
	s2 =	sadd.s32 s2, s22;
	[dreg:$0x10] =	wrdreg s1  }
0x30: {  	s23 =	sadd.s32 s3, s13;
	[dreg:$0x11] =	wrdreg s2  }
0x31: {  	s24 =	sadd.s32 s5, s16;
	[dreg:$0x12] =	wrdreg s23  }
0x32: {  	s25 =	sadd.s32 s6, s21;
	[dreg:$0x13] =	wrdreg s24  }
0x33: {  	s26 =	sadd.s32 s8, s13;
	[dreg:$0x14] =	wrdreg s25  }
0x34: {  	s28 =	sadd.s32 s9, s16;
	[dreg:$0x16] =	wrdreg s26  }
0x35: {  	s29 =	sadd.s32 s10, s21;
	[dreg:$0x17] =	wrdreg s28  }
0x36: {  	s30 =	sadd.s32 s19, s16;
	[dreg:$0x18] =	wrdreg s29  }
0x37: {  	s1 =	sadd.s32 s7, s22;
	[dreg:$0x19] =	wrdreg s30  }
0x38: {  	v0 =	vimm.s32 $0x8;
	s0 =	sadd.s32 s14, s21;
	[dreg:$0x15] =	wrdreg s1  }
0x39: {  	v1 =	vimm.s32 $0x9;
	v2 =	vimm.s32 $0xA;
	v3 =	vimm.f32 $0.0e+00;
	s4 =	simm.s32 $0x0;
	s2 =	simm.s32 $0x0;
	[dreg:$0x1a] =	wrdreg s0  }
.LBB3_1:
0x3a: {  	[dreg:$0x1c] =	wrdreg s2  }
0x3b: {  	s0 =	rddreg [dreg:$0xf];
	s1 =	simm.s32 $0x100  }
0x3c: {  	[tilespmem:s1], [sflag:$0x1] =	stream.linear.gather [hbm4b:s0+s4], $0x1400, $0x38;
	[tilespmem:$0x8800] =	vst v63  }
0x3d: {  	s5 =	rddreg [dreg:$0x10];
	s6 =	simm.s32 $0x2900  }
0x3e: {  	[tilespmem:s6], [sflag:$0x1] =	stream.linear.gather [hbm4b:s5+s4], $0xA00, $0x38;
	[tilespmem:$0x8800] =	vst v63  }
0x3f: {  	s7 =	simm.s32 $0x3D00;
	s9 =	rddreg [dreg:$0x11]  }
0x40: {  	[tilespmem:s7], [sflag:$0x1] =	stream.linear.gather [hbm4b:s9+s4], $0x280, $0x38;
	[tilespmem:$0x8800] =	vst v63  }
0x41: {  	s10 =	rddreg [dreg:$0x12];
	s11 =	simm.s32 $0x4200  }
0x42: {  	[tilespmem:s11], [sflag:$0x1] =	stream.linear.gather [hbm4b:s10+s4], $0x500, $0x38;
	[tilespmem:$0x8800] =	vst v63  }
0x43: {  	s12 =	rddreg [dreg:$0x13];
	s13 =	simm.s32 $0x1500  }
0x44: {  	[tilespmem:s13], [sflag:$0x2] =	stream.linear.gather [hbm4b:s12+s4], $0x1400, $0x38;
	[tilespmem:$0x8800] =	vst v63  }
0x45: {  	s14 =	rddreg [dreg:$0x14];
	s15 =	simm.s32 $0x3300  }
0x46: {  	[tilespmem:s15], [sflag:$0x2] =	stream.linear.gather [hbm4b:s14+s4], $0xA00, $0x38;
	[tilespmem:$0x8800] =	vst v63  }
0x47: {  	s16 =	rddreg [dreg:$0x15];
	s17 =	simm.s32 $0x3F80  }
0x48: {  	[tilespmem:s17], [sflag:$0x2] =	stream.linear.gather [hbm4b:s16+s4], $0x280, $0x38;
	[tilespmem:$0x8800] =	vst v63  }
0x49: {  	s18 =	rddreg [dreg:$0x16];
	s19 =	simm.s32 $0x4700  }
0x4a: {  	[tilespmem:s19], [sflag:$0x2] =	stream.linear.gather [hbm4b:s18+s4], $0x500, $0x38;
	[tilespmem:$0x8800] =	vst v63  }
0x4b: {  	s20 =	rddreg [dreg:$0x8];
	s21 =	simm.s32 $0x8;
	s22 =	simm.s32 $0x4  }
0x4c: {  	[tilespmem:s21], [sflag:$0x4] =	stream.linear.gather [hbm4b:s20+s4], $0x2, $0x38;
	[tilespmem:$0x8800] =	vst v63  }
0x4d: {  	_ =	swait.ge [sflag:s22], $0x2  }
0x4e: {  	[sflag:s22] =	ssyncset.done $0x0  }
0x4f: {  	[sflag:s22] =	ssyncadd.s32 $0xFFFFFFFE  }
0x50: {  	s3 =	simm.s32 $0x88;
	s23 =	rddreg [dreg:$0x9]  }
0x51: {  	[tilespmem:s3], [sflag:$0x4] =	stream.linear.gather [hbm4b:s23+s4], $0x3, $0x38;
	[tilespmem:$0x8800] =	vst v63  }
0x52: {  	_ =	swait.ge [sflag:s22], $0x3  }
0x53: {  	[sflag:s22] =	ssyncset.done $0x0  }
0x54: {  	s24 =	simm.s32 $0x80;
	[sflag:s22] =	ssyncadd.s32 $0xFFFFFFFD  }
0x55: {  	v5 =	vld.idx.msk [tilespmem:v0+s24+$0x0], $0xffff  }
0x56: {  	v6 =	vld.idx.msk [tilespmem:v1+s24+$0x0], $0xffff  }
0x57: {  	v4 =	vld.idx.msk [tilespmem:v2+s24+$0x0], $0xffff  }
0x58: {  	s25 =	simm.s32 $0x1;
	v8 =	vld.idx.msk [tilespmem:v0+s4+$0x0], $0xffff  }
0x59: {  	v7 =	vld.idx.msk [tilespmem:v1+s4+$0x0], $0xffff;
	_ =	swait.ge [sflag:s25], $0x1400  }
0x5a: {  	[sflag:s25] =	ssyncset.done $0x0  }
0x5b: {  	[sflag:s25] =	ssyncadd.s32 $0xFFFFEC00  }
0x5c: {  	_ =	swait.ge [sflag:s25], $0xA00  }
0x5d: {  	[sflag:s25] =	ssyncset.done $0x0  }
0x5e: {  	[sflag:s25] =	ssyncadd.s32 $0xFFFFF600  }
0x5f: {  	_ =	swait.ge [sflag:s25], $0x280  }
0x60: {  	[sflag:s25] =	ssyncset.done $0x0  }
0x61: {  	[sflag:s25] =	ssyncadd.s32 $0xFFFFFD80  }
0x62: {  	s26 =	simm.s32 $0x0;
	_ =	swait.ge [sflag:s25], $0x500  }
0x63: {  	s29 =	simm.s32 $0x0;
	s6 =	sand.u32 $0x60, s26;
	[sflag:s25] =	ssyncset.done $0x0  }
0x64: {  	s8 =	sor.u32 s6, s29;
	[sflag:s25] =	ssyncadd.s32 $0xFFFFFB00  }
0x65: {  	s9 =	sor.u32 $0x10, s6;
	v9 =	vld [tilespmem:s8+$0x180]  }
0x66: {  	s10 =	sor.u32 s9, s29;
	v10 =	vld [tilespmem:s8+$0x300]  }
0x67: {  	v11 =	vld [tilespmem:s10+$0x180]  }
0x68: {  	v12 =	vld [tilespmem:s8+$0x100];
	_ =	sdelay $0x2  }
0x69: {  	v9 =	vsub.f32 $0.0e+00, v9  }
0x6a: {  	v13 =	vld [tilespmem:s10+$0x100];
	v10 =	vmul.f32 $1.442695020e+00, v10;
	v11 =	vsub.f32 $0.0e+00, v11  }
0x6b: {  	v12 =	vsub.f32 $0.0e+00, v12;
	v9 =	vmul.f32 $1.442695020e+00, v9  }
0x6c: {  	(erf) = vpow2.f32 v10;
	v10 =	vmul.f32 $1.442695020e+00, v11  }
0x6d: {  	(erf) = vpow2.f32 v9;
	v9 =	vmul.f32 $1.442695020e+00, v12  }
0x6e: {  	(erf) = vpow2.f32 v10  }
0x6f: {  	v14 =	vld [tilespmem:s8+$0x400];
	v11 =	vsub.f32 $0.0e+00, v13;
	(erf) = vpow2.f32 v9  }
0x70: {  	v10 =	vld [tilespmem:s10+$0x400]  }
0x71: {  	v12 =	vld [tilespmem:s8+$0x380];
	v11 =	vmul.f32 $1.442695020e+00, v11  }
0x72: {  	v13 =	vld [tilespmem:s10+$0x380]  }
0x73: {  	v9 =	vld [tilespmem:s10+$0x280];
	(erf) = vpow2.f32 v11  }
0x74: {  	s30 =	simm.s32 $0x20  }
0x75: {  	s5 =	simm.s32 $0x0;
	s20 =	sand.u32 $0x60, s30;
	v15 =	vld [tilespmem:s8+$0x200];
	v11 =	vmul.f32 $1.442695020e+00, v10;
	v10 =	vpop (erf)  }
0x76: {  	s22 =	sor.u32 s20, s5;
	v17 =	vld [tilespmem:s8+$0x280];
	v12 =	vmul.f32 $1.442695020e+00, v12;
	v16 =	vpop (erf)  }
0x77: {  	s11 =	simm.s32 $0x40;
	v21 =	vld [tilespmem:s22+$0x300];
	(erf) = vpow2.f32 v11;
	v11 =	vmul.f32 $1.442695020e+00, v13;
	v18 =	vpop (erf)  }
0x78: {  	s12 =	simm.s32 $0x0;
	s21 =	sand.u32 $0x60, s11;
	v14 =	vmul.f32 $1.442695020e+00, v14;
	v9 =	vsub.f32 $0.0e+00, v9;
	(erf) = vpow2.f32 v12;
	v12 =	vld [tilespmem:s10+$0x200];
	v19 =	vpop (erf)  }
0x79: {  	s23 =	sor.u32 $0x10, s21;
	s24 =	sor.u32 s21, s12;
	(erf) = vpow2.f32 v11;
	v11 =	vadd.f32 $1.000000000e+00, v19;
	v19 =	vld [tilespmem:s10+$0x300]  }
0x7a: {  	s28 =	sor.u32 s23, s12;
	s25 =	sor.u32 $0x10, s20;
	v39 =	vld [tilespmem:s24+$0x300];
	v15 =	vsub.f32 $0.0e+00, v15;
	v9 =	vmul.f32 $1.442695020e+00, v9;
	(erf) = vpow2.f32 v14  }
0x7b: {  	s31 =	sor.u32 s25, s5;
	v40 =	vld [tilespmem:s28+$0x180];
	v16 =	vadd.f32 $1.000000000e+00, v16;
	(erf) = vrcp.f32 v11;
	v11 =	vsub.f32 $0.0e+00, v17  }
0x7c: {  	v23 =	vld [tilespmem:s31+$0x100];
	v15 =	vmul.f32 $1.442695020e+00, v15;
	v20 =	vpop (erf);
	(erf) = vpow2.f32 v9  }
0x7d: {  	v14 =	vld [tilespmem:s22+$0x180];
	v9 =	vadd.f32 $1.000000000e+00, v20;
	(erf) = vrcp.f32 v16;
	v11 =	vmul.f32 $1.442695020e+00, v11  }
0x7e: {  	v13 =	vld [tilespmem:s7+$0x0];
	v12 =	vsub.f32 $0.0e+00, v12;
	(erf) = vpow2.f32 v15;
	v15 =	vmul.f32 $1.442695020e+00, v19  }
0x7f: {  	v21 =	vmul.f32 $1.442695020e+00, v21;
	v19 =	vld [tilespmem:s31+$0x180];
	(erf) = vrcp.f32 v9  }
0x80: {  	v12 =	vmul.f32 $1.442695020e+00, v12;
	v20 =	vpop (erf);
	(erf) = vpow2.f32 v11;
	v11 =	vld [tilespmem:s22+$0x100]  }
0x81: {  	v56 =	vmul.f32 $1.442695020e+00, v39;
	v40 =	vsub.f32 $0.0e+00, v40;
	v22 =	vpop (erf);
	(erf) = vpow2.f32 v15  }
0x82: {  	v23 =	vsub.f32 $0.0e+00, v23;
	v14 =	vsub.f32 $0.0e+00, v14;
	v15 =	vpop (erf);
	(erf) = vpow2.f32 v12  }
0x83: {  	v40 =	vmul.f32 $1.442695020e+00, v40;
	vm0 =	vge.f32 v13, $8.999999760e-01;
	v13 =	vld [tilespmem:s31+$0x280];
	v12 =	vmul.f32 v15, v6;
	v15 =	vpop (erf)  }
0x84: {  	v14 =	vmul.f32 $1.442695020e+00, v14;
	v19 =	vsub.f32 $0.0e+00, v19;
	v25 =	vmul.f32 v15, v4;
	v15 =	vpop (erf)  }
0x85: {  	v17 =	vld [tilespmem:s31+$0x400];
	(erf) = vpow2.f32 v21;
	v21 =	vpop (erf);
	v11 =	vsub.f32 $0.0e+00, v11;
	v15 =	vmul.f32 $1.570796370e+00, v15  }
0x86: {  	v27 =	vld [tilespmem:s31+$0x200];
	v23 =	vmul.f32 $1.442695020e+00, v23;
	v19 =	vmul.f32 $1.442695020e+00, v19;
	v28 =	vpop (erf)  }
0x87: {  	v26 =	vld [tilespmem:s22+$0x280];
	(erf) = vpow2.f32 v14;
	v30 =	vpop (erf);
	v11 =	vmul.f32 $1.442695020e+00, v11;
	v15 =	vadd.f32 v15, v8  }
0x88: {  	s1 =	sand.u32 $0x380, s26;
	v29 =	vld [tilespmem:s22+$0x380];
	v10 =	vmul.f32 v10, v5;
	v13 =	vsub.f32 $0.0e+00, v13;
	(erf) = vpow2.f32 v19;
	v31 =	vpop (erf)  }
0x89: {  	s1 =	sor.u32 s9, s1;
	v18 =	vadd.f32 $1.000000000e+00, v18;
	v21 =	vadd.f32 $1.000000000e+00, v21;
	v32 =	vpop (erf);
	(erf) = vpow2.f32 v11;
	v11 =	vld [tilespmem:s31+$0x380]  }
0x8a: {  	v24 =	vld [tilespmem:s1+$0x3D00];
	v9 =	vsel vm0, $0x3F800000, v3;
	v17 =	vmul.f32 $1.442695020e+00, v17;
	v14 =	vmul.f32 $1.442695020e+00, v13;
	v33 =	vpop (erf)  }
0x8b: {  	v13 =	vld [tilespmem:s22+$0x200];
	(erf) = vrcp.f32 v21;
	v21 =	vsub.f32 $0.0e+00, v27;
	v27 =	vmul.f32 v15, v9;
	v15 =	vpop (erf)  }
0x8c: {  	v19 =	vsub.f32 $0.0e+00, v26;
	v26 =	vld [tilespmem:s22+$0x400];
	(erf) = vrcp.f32 v18;
	v15 =	vadd.f32 $1.000000000e+00, v15  }
0x8d: {  	v18 =	vmul.f32 $1.442695020e+00, v29;
	(erf) = vpow2.f32 v23  }
0x8e: {  	(erf) = vpow2.f32 v17;
	v17 =	vmul.f32 $1.442695020e+00, v11  }
0x8f: {  	v16 =	vld [tilespmem:s31+$0x300];
	v20 =	vmul.f32 v20, v4;
	(erf) = vrcp.f32 v15  }
0x90: {  	v22 =	vmul.f32 v22, v6;
	v13 =	vsub.f32 $0.0e+00, v13;
	v15 =	vpop (erf);
	(erf) = vpow2.f32 v18  }
0x91: {  	vm0 =	vge.f32 v24, $8.999999760e-01;
	v23 =	vmul.f32 $1.570796370e+00, v31;
	v24 =	vmul.f32 $1.442695020e+00, v26;
	v29 =	vpop (erf)  }
0x92: {  	s7 =	simm.s32 $0x3D20;
	v26 =	vmul.f32 $1.442695020e+00, v13;
	v11 =	vsel vm0, $0x3F800000, v3;
	(erf) = vpow2.f32 v17;
	v17 =	vpop (erf)  }
0x93: {  	v31 =	vmul.f32 $1.442695020e+00, v19;
	v19 =	vld [tilespmem:s7+$0x0];
	v13 =	vmul.f32 v20, v11;
	v18 =	vadd.f32 v23, v8;
	v20 =	vpop (erf)  }
0x94: {  	s13 =	simm.s32 $0x4200;
	v16 =	vmul.f32 $1.442695020e+00, v16;
	v22 =	vmul.f32 v22, v9;
	v34 =	vpop (erf)  }
0x95: {  	s14 =	sor.u32 s6, s13;
	v35 =	vld [tilespmem:s28+$0x400];
	[tilespmem:s8+$0x4C00] =	vst v27;
	v18 =	vmul.f32 v18, v11;
	(erf) = vpow2.f32 v24;
	v23 =	vadd.f32 $1.000000000e+00, v20;
	v24 =	vpop (erf)  }
0x96: {  	v21 =	vmul.f32 $1.442695020e+00, v21;
	v20 =	vmul.f32 v25, v9;
	v25 =	vld [tilespmem:s14+$0x0];
	v36 =	vpop (erf)  }
0x97: {  	s15 =	sor.u32 s9, s13;
	v54 =	vld [tilespmem:s24+$0x280];
	v29 =	vadd.f32 $1.000000000e+00, v29;
	[tilespmem:s10+$0x4C00] =	vst v18;
	v18 =	vmul.f32 v12, v11;
	(erf) = vrcp.f32 v23;
	v37 =	vpop (erf)  }
0x98: {  	vm0 =	vge.f32 v19, $8.999999760e-01;
	v12 =	vld [tilespmem:s15+$0x0];
	v19 =	vmul.f32 v34, v11;
	(erf) = vpow2.f32 v14;
	v38 =	vpop (erf)  }
0x99: {  	v61 =	vld [tilespmem:s24+$0x400];
	v23 =	vmul.f32 v10, v9;
	v10 =	vadd.f32 $1.000000000e+00, v30;
	v30 =	vpop (erf);
	(erf) = vrcp.f32 v29  }
0x9a: {  	v27 =	vld [tilespmem:s24+$0x180];
	v34 =	vmul.f32 $1.442695020e+00, v35;
	v29 =	vadd.f32 $1.000000000e+00, v36;
	(erf) = vpow2.f32 v26  }
0x9b: {  	v14 =	vld [tilespmem:s28+$0x300];
	v37 =	vmul.f32 v37, v4;
	v25 =	vadd.f32 v28, v25;
	(erf) = vrcp.f32 v10  }
0x9c: {  	v28 =	vsub.f32 $0.0e+00, v54;
	v53 =	vpop (erf);
	v26 =	vadd.f32 $1.000000000e+00, v32;
	(erf) = vrcp.f32 v29  }
0x9d: {  	v57 =	vld [tilespmem:s28+$0x100];
	v12 =	vadd.f32 v24, v12;
	v35 =	vmul.f32 v53, v6;
	(erf) = vpow2.f32 v31  }
0x9e: {  	v55 =	vld [tilespmem:s28+$0x280];
	v25 =	vadd.f32 $5.000000000e-01, v25;
	v53 =	vmul.f32 $1.442695020e+00, v61;
	(erf) = vpow2.f32 v16  }
0x9f: {  	v52 =	vld [tilespmem:s28+$0x380];
	v28 =	vmul.f32 $1.442695020e+00, v28;
	v16 =	vpop (erf);
	(erf) = vrcp.f32 v26;
	v26 =	vsub.f32 $0.0e+00, v27  }
0xa0: {  	s0 =	sand.u32 $0x380, s30;
	v29 =	vmul.f32 v33, v5;
	v12 =	vadd.f32 $5.000000000e-01, v12;
	v24 =	vmul.f32 $1.442695020e+00, v14;
	v31 =	vld [tilespmem:s24+$0x100]  }
0xa1: {  	s0 =	sor.u32 s25, s0;
	v14 =	vld [tilespmem:s28+$0x200];
	v25 =	vmul.f32 v25, v9;
	v27 =	vpop (erf);
	(erf) = vpow2.f32 v21  }
0xa2: {  	v59 =	vld [tilespmem:s0+$0x3D00];
	v39 =	vsub.f32 $0.0e+00, v57;
	v12 =	vmul.f32 v12, v11;
	v58 =	vpop (erf);
	v27 =	vmul.f32 $1.570796370e+00, v27  }
0xa3: {  	v29 =	vmul.f32 v29, v11;
	v21 =	vsub.f32 $0.0e+00, v55;
	v60 =	vmul.f32 $1.442695020e+00, v26;
	v26 =	vpop (erf)  }
0xa4: {  	v41 =	vld [tilespmem:s24+$0x380];
	v10 =	vsel vm0, $0x3F800000, v3;
	v16 =	vmul.f32 v16, v4;
	[tilespmem:s10+$0x4C80] =	vst v12;
	v12 =	vmul.f32 $1.442695020e+00, v39;
	v42 =	vpop (erf)  }
0xa5: {  	v55 =	vmul.f32 $1.442695020e+00, v52;
	v31 =	vsub.f32 $0.0e+00, v31;
	v43 =	vmul.f32 $1.442695020e+00, v21;
	v21 =	vld [tilespmem:s24+$0x200];
	v45 =	vpop (erf)  }
0xa6: {  	(erf) = vpow2.f32 v56;
	v44 =	vsub.f32 $0.0e+00, v14;
	v14 =	vadd.f32 v27, v8;
	v27 =	vpop (erf)  }
0xa7: {  	s7 =	simm.s32 $0x60;
	vm0 =	vge.f32 v59, $8.999999760e-01;
	v63 =	vld [tilespmem:s15+$0x80];
	(erf) = vpow2.f32 v60;
	v31 =	vmul.f32 $1.442695020e+00, v31;
	v62 =	vpop (erf)  }
0xa8: {  	s0 =	sand.u32 $0x60, s7;
	v32 =	vadd.f32 $1.000000000e+00, v58;
	v46 =	vmul.f32 v14, v10;
	(erf) = vpow2.f32 v40;
	v47 =	vpop (erf)  }
0xa9: {  	s18 =	simm.s32 $0x0;
	s2 =	sor.u32 $0x10, s0;
	v14 =	vadd.f32 $1.000000000e+00, v17;
	(erf) = vpow2.f32 v31;
	v31 =	vmul.f32 $1.442695020e+00, v41;
	v17 =	vpop (erf)  }
0xaa: {  	s5 =	sor.u32 s2, s18;
	v21 =	vsub.f32 $0.0e+00, v21;
	(erf) = vrcp.f32 v32;
	v33 =	vmul.f32 v17, v9;
	v17 =	vpop (erf)  }
0xab: {  	v59 =	vld [tilespmem:s5+$0x400];
	[tilespmem:s8+$0x4C80] =	vst v25;
	v27 =	vmul.f32 $1.570796370e+00, v27;
	(erf) = vrcp.f32 v14;
	v14 =	vadd.f32 $1.000000000e+00, v17  }
0xac: {  	s17 =	simm.s32 $0x3D60;
	v48 =	vmul.f32 $1.442695020e+00, v21;
	v21 =	vadd.f32 v38, v63;
	(erf) = vpow2.f32 v12;
	v17 =	vld [tilespmem:s14+$0x80]  }
0xad: {  	v56 =	vld [tilespmem:s17+$0x0];
	v27 =	vadd.f32 v27, v8;
	v12 =	vsel vm0, $0x3F800000, v3;
	(erf) = vpow2.f32 v34  }
0xae: {  	v39 =	vmul.f32 $1.442695020e+00, v44;
	v25 =	vmul.f32 v37, v12  }
0xaf: {  	v21 =	vadd.f32 $5.000000000e-01, v21;
	v27 =	vmul.f32 v27, v12;
	(erf) = vrcp.f32 v14;
	v14 =	vpop (erf)  }
0xb0: {  	s1 =	sor.u32 s0, s18;
	v51 =	vld [tilespmem:s5+$0x280];
	v40 =	vadd.f32 $1.000000000e+00, v62;
	v35 =	vmul.f32 v35, v12;
	(erf) = vpow2.f32 v31;
	v31 =	vpop (erf)  }
0xb1: {  	s12 =	simm.s32 $0x4200;
	v62 =	vld [tilespmem:s1+$0x300];
	v37 =	vmul.f32 $1.442695020e+00, v59;
	v41 =	vmul.f32 v21, v11;
	v17 =	vadd.f32 v45, v17;
	v38 =	vpop (erf)  }
0xb2: {  	s19 =	sor.u32 s25, s12;
	vm0 =	vge.f32 v56, $8.999999760e-01;
	v56 =	vld [tilespmem:s5+$0x180];
	v21 =	vmul.f32 v30, v6;
	v30 =	vmul.f32 v15, v5;
	[tilespmem:s31+$0x4C00] =	vst v27;
	v57 =	vpop (erf)  }
0xb3: {  	[tilespmem:s10+$0x4E00] =	vst v29;
	v15 =	vmul.f32 v16, v10;
	v49 =	vld [tilespmem:s19+$0x0];
	(erf) = vpow2.f32 v55;
	v17 =	vadd.f32 $5.000000000e-01, v17;
	v58 =	vpop (erf)  }
0xb4: {  	[tilespmem:s10+$0x4D80] =	vst v19;
	v21 =	vmul.f32 v21, v10;
	(erf) = vpow2.f32 v53;
	v36 =	vadd.f32 $1.000000000e+00, v57;
	v60 =	vpop (erf)  }
0xb5: {  	v29 =	vld [tilespmem:s5+$0x300];
	[tilespmem:s8+$0x4F00] =	vst v20;
	v20 =	vsub.f32 $0.0e+00, v51;
	v50 =	vmul.f32 v17, v9;
	v17 =	vmul.f32 v30, v10;
	v61 =	vpop (erf)  }
0xb6: {  	s16 =	simm.s32 $0x3D40;
	[tilespmem:s10+$0x4E80] =	vst v18;
	v44 =	vld [tilespmem:s1+$0x180];
	v31 =	vadd.f32 $1.000000000e+00, v31;
	v53 =	vmul.f32 v58, v12;
	v52 =	vpop (erf);
	(erf) = vrcp.f32 v36  }
0xb7: {  	v54 =	vld [tilespmem:s16+$0x0];
	[tilespmem:s10+$0x4F00] =	vst v13;
	v30 =	vadd.f32 $1.000000000e+00, v42;
	v42 =	vmul.f32 $1.442695020e+00, v62;
	(erf) = vpow2.f32 v43  }
0xb8: {  	[tilespmem:s22+$0x4C00] =	vst v46;
	v58 =	vld [tilespmem:s5+$0x100];
	v62 =	vsub.f32 $0.0e+00, v56;
	v18 =	vadd.f32 v60, v49;
	(erf) = vrcp.f32 v31  }
0xb9: {  	s15 =	sor.u32 s20, s12;
	v63 =	vld [tilespmem:s1+$0x280];
	[tilespmem:s8+$0x4E80] =	vst v22;
	v52 =	vmul.f32 v52, v4;
	v31 =	vadd.f32 $1.000000000e+00, v61;
	(erf) = vpow2.f32 v48  }
0xba: {  	[tilespmem:s8+$0x4E00] =	vst v23;
	v27 =	vld [tilespmem:s15+$0x0];
	v57 =	vadd.f32 $5.000000000e-01, v18;
	v18 =	vmul.f32 $1.442695020e+00, v29;
	(erf) = vrcp.f32 v30  }
0xbb: {  	s29 =	sand.u32 $0x380, s11;
	v59 =	vld [tilespmem:s1+$0x100];
	v23 =	vsub.f32 $0.0e+00, v44;
	[tilespmem:s8+$0x4D80] =	vst v33;
	v36 =	vpop (erf);
	v29 =	vmul.f32 $1.442695020e+00, v20;
	(erf) = vrcp.f32 v31  }
0xbc: {  	s26 =	simm.s32 $0x0;
	vm1 =	vge.f32 v54, $8.999999760e-01;
	v55 =	vld [tilespmem:s5+$0x200];
	[tilespmem:s10+$0x4D00] =	vst v41;
	s10 =	sor.u32 s23, s29;
	v20 =	vmul.f32 $1.442695020e+00, v62;
	v16 =	vpop (erf);
	(erf) = vpow2.f32 v28  }
0xbd: {  	s14 =	sor.u32 s6, s26;
	v32 =	vld [tilespmem:s10+$0x3D00];
	[tilespmem:s8+$0x4D00] =	vst v50;
	v61 =	vmul.f32 $1.442695020e+00, v23;
	v19 =	vpop (erf);
	v56 =	vsub.f32 $0.0e+00, v58;
	(erf) = vpow2.f32 v24  }
0xbe: {  	s9 =	sor.u32 s9, s26;
	v19 =	vmul.f32 v19, v6;
	v30 =	vsub.f32 $0.0e+00, v63;
	v63 =	vld [tilespmem:s14+$0x2A80];
	v31 =	vmul.f32 v47, v5;
	v28 =	vpop (erf)  }
0xbf: {  	v24 =	vadd.f32 v26, v27;
	v26 =	vld [tilespmem:s9+$0x2900];
	v22 =	vmul.f32 v28, v4;
	v28 =	vmul.f32 v57, v12;
	v27 =	vpop (erf)  }
0xc0: {  	v13 =	vsel vm1, $0x3F800000, v3;
	v57 =	vld [tilespmem:s1+$0x200];
	(erf) = vrcp.f32 v40;
	v27 =	vmul.f32 $1.570796370e+00, v27;
	v60 =	vpop (erf)  }
0xc1: {  	v38 =	vadd.f32 $1.000000000e+00, v38;
	v54 =	vmul.f32 $1.442695020e+00, v56;
	v40 =	vld [tilespmem:s1+$0x380];
	(erf) = vpow2.f32 v39;
	v23 =	vpop (erf)  }
0xc2: {  	[tilespmem:s31+$0x4C80] =	vst v28;
	v28 =	vsub.f32 $0.0e+00, v59;
	v59 =	vld [tilespmem:s1+$0x400];
	(erf) = vpow2.f32 v42;
	v44 =	vpop (erf);
	v27 =	vadd.f32 v27, v8  }
0xc3: {  	v34 =	vsub.f32 $0.0e+00, v55;
	v31 =	vmul.f32 v31, v12;
	v47 =	vld [tilespmem:s19+$0x80];
	(erf) = vpow2.f32 v61;
	v33 =	vpop (erf)  }
0xc4: {  	v24 =	vadd.f32 $5.000000000e-01, v24;
	v28 =	vmul.f32 $1.442695020e+00, v28;
	(erf) = vpow2.f32 v20;
	v58 =	vpop (erf)  }
0xc5: {  	v43 =	vmul.f32 v63, v9;
	v39 =	vadd.f32 $1.000000000e+00, v60;
	v61 =	vld [tilespmem:s14+$0x2980];
	v26 =	vmul.f32 v26, v11;
	v60 =	vpop (erf)  }
0xc6: {  	vm1 =	vge.f32 v32, $8.999999760e-01;
	[tilespmem:s31+$0x4E00] =	vst v31;
	v55 =	vmul.f32 v27, v13;
	v27 =	vpop (erf);
	(erf) = vpow2.f32 v28  }
0xc7: {  	v32 =	vld [tilespmem:s9+$0x2A00];
	[tilespmem:s31+$0x4F00] =	vst v25;
	v63 =	vmul.f32 v24, v10;
	v20 =	vsel vm1, $0x3F800000, v3;
	v25 =	vsub.f32 $0.0e+00, v57  }
0xc8: {  	v62 =	vld [tilespmem:s14+$0x2A00];
	[tilespmem:s31+$0x4D80] =	vst v53;
	v45 =	vmul.f32 $1.442695020e+00, v40;
	v41 =	vmul.f32 $1.442695020e+00, v59;
	v47 =	vadd.f32 v36, v47  }
0xc9: {  	v48 =	vld [tilespmem:s5+$0x380];
	[tilespmem:s31+$0x4E80] =	vst v35;
	v36 =	vadd.f32 $1.000000000e+00, v44;
	v42 =	vmul.f32 $1.570796370e+00, v58;
	v28 =	vpop (erf);
	(erf) = vrcp.f32 v39  }
0xca: {  	v31 =	vld [tilespmem:s9+$0x2980];
	[tilespmem:s9+$0x7400] =	vst v26;
	v51 =	vmul.f32 v61, v9;
	v47 =	vadd.f32 $5.000000000e-01, v47;
	v26 =	vpop (erf);
	(erf) = vrcp.f32 v38  }
0xcb: {  	s13 =	simm.s32 $0x4200;
	s30 =	sand.u32 $0x380, s7;
	v35 =	vld [tilespmem:s9+$0x2A80];
	[tilespmem:s22+$0x4C80] =	vst v63;
	v46 =	vmul.f32 v28, v10;
	v28 =	vadd.f32 $1.000000000e+00, v60;
	v38 =	vmul.f32 $1.442695020e+00, v25;
	v24 =	vpop (erf)  }
0xcc: {  	s11 =	simm.s32 $0x0;
	s12 =	sor.u32 s2, s30;
	s6 =	simm.s32 $0x0;
	v40 =	vld [tilespmem:s14+$0x2900];
	[tilespmem:s24+$0x4C00] =	vst v55;
	v25 =	vmul.f32 v52, v20;
	(erf) = vpow2.f32 v54;
	v49 =	vadd.f32 $1.000000000e+00, v26;
	v44 =	vpop (erf)  }
0xcd: {  	s10 =	simm.s32 $0x4200;
	s8 =	simm.s32 $0x0;
	v39 =	vld [tilespmem:s15+$0x80];
	s15 =	simm.s32 $0x3D80;
	[tilespmem:s14+$0x7480] =	vst v51;
	(erf) = vpow2.f32 v37;
	v37 =	vadd.f32 v42, v8;
	v42 =	vmul.f32 v62, v9;
	v26 =	vpop (erf)  }
.LBB3_2:
0xce: {  	s7 =	sadd.s32 $0x20, s7;
	v50 =	vld [tilespmem:s15+$0x0];
	v30 =	vmul.f32 $1.442695020e+00, v30;
	(erf) = vrcp.f32 v49  }
0xcf: {  	s16 =	sshrl.u32 s7, $0x7;
	s17 =	sand.u32 $0x60, s7;
	s26 =	sand.u32 $0x380, s7;
	v48 =	vmul.f32 $1.442695020e+00, v48;
	v49 =	vpop (erf);
	v51 =	vmul.f32 v37, v20;
	[tilespmem:s22+$0x4D80] =	vst v46  }
0xd0: {  	v34 =	vmul.f32 $1.442695020e+00, v34;
	p0 =	slt.u32 s7, $0x260;
	s30 =	sshll.u32 s16, $0xA;
	s3 =	sor.u32 $0x10, s17;
	(erf) = vpow2.f32 v45;
	[tilespmem:s14+$0x7580] =	vst v43  }
0xd1: {  	s29 =	sor.u32 s17, s30;
	s18 =	sor.u32 s3, s30;
	v37 =	vld [tilespmem:s12+$0x3D00];
	s12 =	sor.u32 s3, s26;
	(erf) = vpow2.f32 v48;
	[tilespmem:s22+$0x4E80] =	vst v21;
	v21 =	vmul.f32 v47, v12  }
0xd2: {  	v14 =	vmul.f32 v14, v5;
	s30 =	sshrl.u32 s30, $0x2;
	s26 =	sshll.u32 s16, $0x9;
	s16 =	sor.u32 s21, s13;
	v43 =	vld [tilespmem:s29+$0x180];
	[tilespmem:s28+$0x4C00] =	vst v51;
	v45 =	vpop (erf);
	v33 =	vadd.f32 v33, v39;
	v39 =	vmul.f32 v40, v9  }
0xd3: {  	v16 =	vmul.f32 v16, v6;
	s19 =	sadd.s32 $0x4200, s30;
	v9 =	vmov v10;
	(erf) = vpow2.f32 v41;
	v46 =	vld [tilespmem:s16+$0x0];
	v47 =	vpop (erf);
	[tilespmem:s31+$0x4D00] =	vst v21;
	s31 =	smov.u32 s28;
	s28 =	smov.u32 s5  }
0xd4: {  	v22 =	vmul.f32 v22, v13;
	v31 =	vmul.f32 v31, v11;
	v49 =	vadd.f32 $1.000000000e+00, v49;
	s30 =	sor.u32 s23, s13;
	v10 =	vmovc v13;
	s13 =	smov.u32 s10;
	s5 =	smov.u32 s18;
	v48 =	vld [tilespmem:s18+$0x400];
	[tilespmem:s14+$0x7500] =	vst v42  }
0xd5: {  	v32 =	vmul.f32 v32, v11;
	v21 =	vmul.f32 v16, v10;
	s10 =	smov.u32 s19;
	v16 =	vadd.f32 $5.000000000e-01, v33;
	v42 =	vpop (erf);
	v51 =	vld [tilespmem:s30+$0x0];
	[tilespmem:s14+$0x7400] =	vst v39  }
0xd6: {  	v13 =	vsel vm0, $0x3F800000, v3;
	vm0 =	vge.f32 v50, $8.999999760e-01;
	v33 =	vld [tilespmem:s5+$0x280];
	v50 =	vpop (erf);
	[tilespmem:s9+$0x7480] =	vst v31;
	v31 =	vmul.f32 v35, v11  }
0xd7: {  	v35 =	vmul.f32 v19, v20;
	v52 =	vmul.f32 v16, v9;
	v11 =	vmov v12;
	v41 =	vld [tilespmem:s29+$0x380];
	v40 =	vpop (erf);
	[tilespmem:s9+$0x7500] =	vst v32  }
0xd8: {  	v53 =	vadd.f32 $1.000000000e+00, v44;
	v12 =	vmovc v20;
	v32 =	vld [tilespmem:s29+$0x300];
	(erf) = vrcp.f32 v49;
	[tilespmem:s22+$0x4E00] =	vst v17;
	v17 =	vmul.f32 v14, v10;
	v14 =	vmovc v24  }
0xd9: {  	v44 =	vmul.f32 v45, v12;
	v24 =	vadd.f32 $1.000000000e+00, v42;
	v20 =	vld [tilespmem:s5+$0x300];
	v16 =	vpop (erf);
	(erf) = vpow2.f32 v29;
	[tilespmem:s9+$0x7580] =	vst v31  }
0xda: {  	v39 =	vmul.f32 $1.442695020e+00, v48;
	v45 =	vld [tilespmem:s5+$0x200];
	(erf) = vrcp.f32 v53;
	v19 =	vpop (erf);
	v29 =	vadd.f32 v47, v51  }
0xdb: {  	v42 =	vmul.f32 v50, v4;
	s9 =	sor.u32 s25, s11;
	s25 =	smov.u32 s23;
	s23 =	smov.u32 s2;
	v31 =	vld [tilespmem:s29+$0x280];
	(erf) = vpow2.f32 v38  }
0xdc: {  	s2 =	smov.u32 s3;
	v19 =	vmul.f32 v19, v6;
	v38 =	vpop (erf);
	v29 =	vadd.f32 $5.000000000e-01, v29;
	(erf) = vrcp.f32 v36;
	v36 =	vld [tilespmem:s9+$0x2900]  }
0xdd: {  	v47 =	vld [tilespmem:s5+$0x180];
	(erf) = vrcp.f32 v24;
	v24 =	vmul.f32 v27, v5  }
0xde: {  	v27 =	vmul.f32 $1.442695020e+00, v32;
	v48 =	vld [tilespmem:s5+$0x100];
	(erf) = vpow2.f32 v30;
	[tilespmem:s22+$0x4F00] =	vst v15;
	v15 =	vmov v22  }
0xdf: {  	s14 =	sor.u32 s20, s11;
	s20 =	smov.u32 s21;
	s21 =	smov.u32 s0;
	v49 =	vld [tilespmem:s29+$0x100];
	(erf) = vpow2.f32 v18;
	v18 =	vmul.f32 $1.442695020e+00, v20;
	v20 =	vadd.f32 v23, v46;
	[tilespmem:s22+$0x4D00] =	vst v52  }
0xe0: {  	s0 =	smov.u32 s17;
	v22 =	vmul.f32 v38, v4;
	s22 =	smov.u32 s24;
	s24 =	smov.u32 s1;
	v30 =	vsub.f32 $0.0e+00, v31;
	(erf) = vrcp.f32 v28;
	v50 =	vld [tilespmem:s14+$0x2980]  }
0xe1: {  	s11 =	smov.u32 s8;
	s8 =	smov.u32 s6;
	v32 =	vsub.f32 $0.0e+00, v43;
	v29 =	vmul.f32 v29, v12;
	s1 =	smov.u32 s29;
	v28 =	vpop (erf);
	(erf) = vpow2.f32 v34;
	v38 =	vld [tilespmem:s14+$0x2A80]  }
0xe2: {  	s6 =	smov.u32 s26;
	v53 =	vsub.f32 $0.0e+00, v33;
	(erf) = vpow2.f32 v27;
	v27 =	vmul.f32 $1.570796370e+00, v28;
	v28 =	vpop (erf);
	v31 =	vld [tilespmem:s9+$0x2980]  }
0xe3: {  	v43 =	vmul.f32 $1.442695020e+00, v32;
	v24 =	vmul.f32 v24, v12;
	v34 =	vsub.f32 $0.0e+00, v47;
	v23 =	vpop (erf);
	[tilespmem:s31+$0x4C80] =	vst v29;
	v32 =	vld [tilespmem:s9+$0x2A00]  }
0xe4: {  	v47 =	vsub.f32 $0.0e+00, v48;
	v29 =	vmul.f32 $1.442695020e+00, v53;
	v46 =	vsub.f32 $0.0e+00, v49;
	v49 =	vpop (erf);
	v48 =	vld [tilespmem:s30+$0x80]  }
0xe5: {  	v55 =	vmul.f32 $1.442695020e+00, v34;
	v34 =	vsub.f32 $0.0e+00, v45;
	v51 =	vld [tilespmem:s1+$0x200];
	[tilespmem:s31+$0x4E00] =	vst v24;
	v33 =	vpop (erf);
	v24 =	vmul.f32 v36, v11  }
0xe6: {  	v36 =	vadd.f32 $1.000000000e+00, v28;
	(erf) = vpow2.f32 v43;
	v43 =	vadd.f32 v27, v8;
	v53 =	vpop (erf);
	[tilespmem:s31+$0x4D80] =	vst v44;
	v54 =	vld [tilespmem:s14+$0x2A00]  }
0xe7: {  	v26 =	vadd.f32 $1.000000000e+00, v26;
	v45 =	vmul.f32 $1.442695020e+00, v46;
	v44 =	vld [tilespmem:s1+$0x400];
	(erf) = vpow2.f32 v55;
	v52 =	vpop (erf);
	[tilespmem:s31+$0x4E80] =	vst v35  }
0xe8: {  	vm1 =	vge.f32 v37, $8.999999760e-01;
	v55 =	vmul.f32 $1.442695020e+00, v47;
	v46 =	vmul.f32 v43, v13;
	v27 =	vpop (erf);
	[tilespmem:s31+$0x4F00] =	vst v25;
	v35 =	vld [tilespmem:s9+$0x2A80]  }
0xe9: {  	v25 =	vadd.f32 $5.000000000e-01, v20;
	v43 =	vmul.f32 v38, v9;
	(erf) = vpow2.f32 v45;
	v28 =	vpop (erf);
	[tilespmem:s9+$0x7400] =	vst v24  }
0xea: {  	v20 =	vsel vm1, $0x3F800000, v3;
	v45 =	vmul.f32 $1.442695020e+00, v41;
	[tilespmem:s24+$0x4C00] =	vst v46;
	v37 =	vpop (erf);
	v46 =	vmul.f32 v28, v10  }
0xeb: {  	v28 =	vadd.f32 $1.000000000e+00, v52;
	v52 =	vmul.f32 v25, v10;
	v25 =	vadd.f32 v40, v48;
	v24 =	vpop (erf)  }
.Ltmp0:
0xec: {  	v38 =	vsub.f32 $0.0e+00, v51;
	v41 =	vmul.f32 $1.442695020e+00, v44;
	(erf) = vrcp.f32 v36;
	v40 =	vld [tilespmem:s14+$0x2900];
	(pc) =	sbr.rel @p0 .LBB3_2-.Ltmp0, $4  }
0xed: {  	v51 =	vmul.f32 $1.570796370e+00, v53;
	v36 =	vadd.f32 $1.000000000e+00, v49;
	v48 =	vld [tilespmem:s5+$0x380];
	(erf) = vrcp.f32 v26  }
0xee: {  	v50 =	vmul.f32 v50, v9;
	v38 =	vmul.f32 $1.442695020e+00, v38;
	v47 =	vadd.f32 $5.000000000e-01, v25  }
0xef: {  	v49 =	vadd.f32 $1.000000000e+00, v37;
	v25 =	vmul.f32 v42, v20;
	v44 =	vpop (erf);
	(erf) = vpow2.f32 v55;
	[tilespmem:s22+$0x4C80] =	vst v52  }
0xf0: {  	s15 =	sadd.s32 $0x20, s15;
	v37 =	vadd.f32 v51, v8;
	v42 =	vmul.f32 v54, v9;
	v26 =	vpop (erf);
	(erf) = vpow2.f32 v39;
	v39 =	vld [tilespmem:s16+$0x80];
	[tilespmem:s14+$0x7480] =	vst v50  }
0xf1: {  	_ = 	snop  }
0xf2: {  	(erf) = vrcp.f32 v49;
	v48 =	vmul.f32 $1.442695020e+00, v48  }
0xf3: {  	v63 =	vpop (erf);
	(erf) = vpow2.f32 v45;
	v37 =	vmul.f32 v37, v20  }
0xf4: {  	v52 =	vadd.f32 $1.000000000e+00, v63;
	(erf) = vpow2.f32 v48  }
0xf5: {  	s15 =	sor.u32 s23, s13;
	[tilespmem:s28+$0x4C00] =	vst v37;
	(erf) = vpow2.f32 v41  }
0xf6: {  	v53 =	vpop (erf);
	v56 =	vld [tilespmem:s15+$0x0];
	(erf) = vrcp.f32 v52  }
0xf7: {  	v54 =	vadd.f32 $1.000000000e+00, v44;
	v55 =	vpop (erf);
	(erf) = vpow2.f32 v29;
	v29 =	vmul.f32 v47, v12  }
0xf8: {  	v9 =	vmul.f32 v40, v9;
	v57 =	vpop (erf)  }
0xf9: {  	[tilespmem:s22+$0x4E80] =	vst v21;
	(erf) = vrcp.f32 v54;
	v21 =	vadd.f32 $1.000000000e+00, v57  }
0xfa: {  	v31 =	vmul.f32 v31, v11;
	[tilespmem:s14+$0x7400] =	vst v9;
	(erf) = vpow2.f32 v38  }
0xfb: {  	v9 =	vmul.f32 v32, v11;
	[tilespmem:s31+$0x4D00] =	vst v29;
	(erf) = vrcp.f32 v36;
	v59 =	vadd.f32 v55, v56;
	v29 =	vpop (erf)  }
0xfc: {  	[tilespmem:s22+$0x4D80] =	vst v46;
	v30 =	vmul.f32 $1.442695020e+00, v30;
	(erf) = vrcp.f32 v21;
	v58 =	vpop (erf)  }
0xfd: {  	[tilespmem:s9+$0x7500] =	vst v9;
	v9 =	vadd.f32 $5.000000000e-01, v59;
	v21 =	vpop (erf)  }
0xfe: {  	v35 =	vmul.f32 v35, v11;
	[tilespmem:s9+$0x7480] =	vst v31;
	(erf) = vpow2.f32 v30;
	v31 =	vpop (erf)  }
0xff: {  	[tilespmem:s14+$0x7580] =	vst v43;
	s3 =	sor.u32 s21, s13;
	v33 =	vadd.f32 v33, v39;
	(erf) = vpow2.f32 v18;
	v18 =	vmul.f32 v9, v20;
	v11 =	vpop (erf)  }
0x100: {  	[tilespmem:s22+$0x4E00] =	vst v17;
	v17 =	vmul.f32 v27, v5;
	v60 =	vld [tilespmem:s3+$0x0];
	v27 =	vpop (erf)  }
0x101: {  	s7 =	sor.u32 s25, s11;
	[tilespmem:s22+$0x4F00] =	vst v15;
	v61 =	vadd.f32 $5.000000000e-01, v33;
	v62 =	vpop (erf)  }
0x102: {  	v34 =	vmul.f32 $1.442695020e+00, v34;
	v19 =	vmul.f32 v19, v20;
	[tilespmem:s14+$0x7500] =	vst v42;
	v30 =	vld [tilespmem:s7+$0x2900];
	v15 =	vpop (erf)  }
0x103: {  	v32 =	vmul.f32 v61, v10;
	(erf) = vrcp.f32 v28;
	[tilespmem:s28+$0x4C80] =	vst v18;
	v18 =	vpop (erf)  }
0x104: {  	[tilespmem:s9+$0x7580] =	vst v35;
	v17 =	vmul.f32 v17, v20;
	v28 =	vld [tilespmem:s12+$0x3D00];
	v27 =	vmul.f32 $1.570796370e+00, v27;
	v41 =	vpop (erf)  }
0x105: {  	v26 =	vadd.f32 $1.000000000e+00, v26;
	v16 =	vmul.f32 v16, v6;
	v23 =	vadd.f32 v23, v60;
	[tilespmem:s22+$0x4D00] =	vst v32;
	v42 =	vpop (erf)  }
0x106: {  	v40 =	vld [tilespmem:s15+$0x80];
	[tilespmem:s28+$0x4E00] =	vst v17;
	v17 =	vadd.f32 v27, v8;
	v27 =	vadd.f32 $1.000000000e+00, v62;
	v33 =	vmul.f32 $1.570796370e+00, v42  }
0x107: {  	s20 =	sor.u32 s20, s11;
	v63 =	vmul.f32 v53, v20;
	v9 =	vsel vm0, $0x3F800000, v3;
	[tilespmem:s28+$0x4E80] =	vst v19;
	v30 =	vmul.f32 v30, v12  }
0x108: {  	v19 =	vadd.f32 $5.000000000e-01, v23;
	v23 =	vld [tilespmem:s20+$0x2A80];
	[tilespmem:s28+$0x4F00] =	vst v25;
	(erf) = vpow2.f32 v34;
	v25 =	vadd.f32 v33, v8  }
0x109: {  	v43 =	vld [tilespmem:s20+$0x2980];
	[tilespmem:s28+$0x4D80] =	vst v63;
	vm0 =	vge.f32 v28, $8.999999760e-01;
	v17 =	vmul.f32 v17, v9;
	(erf) = vrcp.f32 v27  }
0x10a: {  	v44 =	vld [tilespmem:s20+$0x2900];
	v19 =	vmul.f32 v19, v13;
	[tilespmem:s7+$0x7400] =	vst v30;
	(erf) = vrcp.f32 v26;
	v27 =	vpop (erf);
	v8 =	vsel vm0, $0x3F800000, v3  }
0x10b: {  	v28 =	vld [tilespmem:s20+$0x2A00];
	v32 =	vadd.f32 v58, v40;
	[tilespmem:s1+$0x4C00] =	vst v17;
	v30 =	vpop (erf);
	v17 =	vmul.f32 v25, v8  }
0x10c: {  	v16 =	vmul.f32 v16, v13;
	[tilespmem:s24+$0x4C80] =	vst v19;
	v26 =	vld [tilespmem:s7+$0x2980];
	v25 =	vpop (erf)  }
0x10d: {  	[tilespmem:s5+$0x4C00] =	vst v17;
	v17 =	vmul.f32 v23, v10;
	v23 =	vadd.f32 $5.000000000e-01, v32;
	v19 =	vmul.f32 v25, v13;
	v25 =	vld [tilespmem:s3+$0x80]  }
0x10e: {  	v46 =	vld [tilespmem:s7+$0x2A00];
	s22 =	sor.u32 s2, s10;
	[tilespmem:s24+$0x4E80] =	vst v16  }
0x10f: {  	s25 =	sor.u32 s0, s10;
	v45 =	vld [tilespmem:s22+$0x0];
	[tilespmem:s20+$0x7580] =	vst v17;
	v17 =	vmul.f32 v23, v20  }
0x110: {  	v14 =	vmul.f32 v14, v5;
	v23 =	vmul.f32 v28, v10;
	v28 =	vld [tilespmem:s25+$0x0];
	[tilespmem:s24+$0x4D80] =	vst v19  }
0x111: {  	v34 =	vmul.f32 v43, v10;
	v10 =	vmul.f32 v44, v10;
	[tilespmem:s28+$0x4D00] =	vst v17;
	v19 =	vpop (erf)  }
0x112: {  	[tilespmem:s20+$0x7500] =	vst v23;
	v16 =	vpop (erf);
	v17 =	vadd.f32 $1.000000000e+00, v19;
	v19 =	vmul.f32 v26, v12;
	v26 =	vld [tilespmem:s7+$0x2A80];
	v25 =	vadd.f32 v41, v25  }
0x113: {  	v18 =	vadd.f32 $1.000000000e+00, v18;
	[tilespmem:s20+$0x7400] =	vst v10;
	v10 =	vmul.f32 v46, v12;
	v47 =	vpop (erf)  }
0x114: {  	v14 =	vmul.f32 v14, v13;
	v23 =	vadd.f32 v47, v45;
	[tilespmem:s7+$0x7480] =	vst v19;
	v19 =	vadd.f32 $5.000000000e-01, v25  }
0x115: {  	v22 =	vmul.f32 v22, v13;
	v27 =	vadd.f32 $1.000000000e+00, v27;
	[tilespmem:s7+$0x7500] =	vst v10;
	v10 =	vadd.f32 v15, v28  }
0x116: {  	[tilespmem:s24+$0x4E00] =	vst v14;
	(erf) = vrcp.f32 v17;
	v17 =	vadd.f32 $5.000000000e-01, v23;
	v15 =	vmul.f32 v19, v13  }
0x117: {  	[tilespmem:s24+$0x4F00] =	vst v22;
	(erf) = vrcp.f32 v18;
	v12 =	vmul.f32 v26, v12  }
0x118: {  	s26 =	sor.u32 s23, s8;
	v10 =	vadd.f32 $5.000000000e-01, v10;
	(erf) = vrcp.f32 v27;
	v14 =	vmul.f32 v17, v8;
	[tilespmem:s24+$0x4D00] =	vst v15  }
0x119: {  	s29 =	sor.u32 s21, s8;
	v18 =	vmul.f32 v30, v5;
	v17 =	vld [tilespmem:s26+$0x2900];
	[tilespmem:s7+$0x7580] =	vst v12  }
0x11a: {  	v19 =	vmul.f32 v29, v4;
	v10 =	vmul.f32 v10, v9;
	v12 =	vld [tilespmem:s29+$0x2980];
	[tilespmem:s5+$0x4C80] =	vst v14  }
0x11b: {  	[tilespmem:s20+$0x7480] =	vst v34;
	v18 =	vmul.f32 v18, v8;
	v15 =	vmul.f32 v31, v6;
	v14 =	vld [tilespmem:s22+$0x80]  }
0x11c: {  	v16 =	vmul.f32 v16, v8;
	[tilespmem:s1+$0x4C80] =	vst v10  }
0x11d: {  	v10 =	vmul.f32 v15, v8;
	v15 =	vld [tilespmem:s25+$0x80];
	[tilespmem:s5+$0x4E00] =	vst v18;
	v18 =	vmul.f32 v19, v8  }
0x11e: {  	[tilespmem:s5+$0x4D80] =	vst v16  }
0x11f: {  	v11 =	vmul.f32 v11, v4;
	[tilespmem:s5+$0x4E80] =	vst v10;
	v19 =	vpop (erf);
	v17 =	vmul.f32 v17, v20  }
0x120: {  	[tilespmem:s5+$0x4F00] =	vst v18;
	v16 =	vpop (erf);
	v12 =	vmul.f32 v12, v13;
	v10 =	vadd.f32 v19, v14  }
0x121: {  	v11 =	vmul.f32 v11, v9;
	v18 =	vpop (erf);
	[tilespmem:s26+$0x7400] =	vst v17;
	v14 =	vmul.f32 v21, v6  }
0x122: {  	v17 =	vmul.f32 v18, v9;
	v19 =	vld [tilespmem:s29+$0x2A80];
	[tilespmem:s29+$0x7480] =	vst v12;
	v12 =	vadd.f32 v16, v15;
	v10 =	vadd.f32 $5.000000000e-01, v10  }
0x123: {  	[tilespmem:s1+$0x4F00] =	vst v11;
	v18 =	vmul.f32 v24, v5;
	v15 =	vld [tilespmem:s29+$0x2A00];
	v14 =	vmul.f32 v14, v9  }
0x124: {  	[tilespmem:s1+$0x4D80] =	vst v17;
	v17 =	vld [tilespmem:s29+$0x2900];
	v12 =	vadd.f32 $5.000000000e-01, v12;
	v10 =	vmul.f32 v10, v8  }
0x125: {  	v16 =	vmul.f32 v18, v9;
	[tilespmem:s1+$0x4E80] =	vst v14;
	v14 =	vld [tilespmem:s26+$0x2980]  }
0x126: {  	v12 =	vmul.f32 v12, v9;
	[tilespmem:s5+$0x4D00] =	vst v10;
	v10 =	vld [tilespmem:s26+$0x2A00]  }
0x127: {  	s30 =	sor.u32 s2, s6;
	[tilespmem:s1+$0x4E00] =	vst v16;
	v16 =	vld [tilespmem:s26+$0x2A80];
	v18 =	vmul.f32 v19, v13  }
0x128: {  	v11 =	vmul.f32 v15, v13;
	[tilespmem:s1+$0x4D00] =	vst v12;
	s1 =	sor.u32 s0, s6;
	v15 =	vld [tilespmem:s30+$0x2900]  }
0x129: {  	[tilespmem:s29+$0x7580] =	vst v18;
	v12 =	vmul.f32 v17, v13;
	v13 =	vld [tilespmem:s1+$0x2980]  }
0x12a: {  	[tilespmem:s29+$0x7500] =	vst v11;
	v11 =	vmul.f32 v14, v20;
	v14 =	vld [tilespmem:s1+$0x2A80]  }
0x12b: {  	[tilespmem:s29+$0x7400] =	vst v12;
	v12 =	vld [tilespmem:s1+$0x2A00];
	v10 =	vmul.f32 v10, v20  }
0x12c: {  	[tilespmem:s26+$0x7480] =	vst v11;
	v11 =	vmul.f32 v16, v20;
	v16 =	vld [tilespmem:s1+$0x2900]  }
0x12d: {  	v15 =	vmul.f32 v15, v8;
	[tilespmem:s26+$0x7500] =	vst v10;
	v10 =	vld [tilespmem:s30+$0x2980]  }
0x12e: {  	v13 =	vmul.f32 v13, v9;
	[tilespmem:s26+$0x7580] =	vst v11;
	v11 =	vld [tilespmem:s30+$0x2A00]  }
0x12f: {  	v17 =	vld [tilespmem:s30+$0x2A80];
	v14 =	vmul.f32 v14, v9;
	[tilespmem:s30+$0x7400] =	vst v15  }
0x130: {  	[tilespmem:s1+$0x7480] =	vst v13;
	v12 =	vmul.f32 v12, v9  }
0x131: {  	[tilespmem:s1+$0x7580] =	vst v14;
	v9 =	vmul.f32 v16, v9  }
0x132: {  	[tilespmem:s1+$0x7500] =	vst v12;
	v10 =	vmul.f32 v10, v8  }
0x133: {  	[tilespmem:s1+$0x7400] =	vst v9;
	v9 =	vmul.f32 v11, v8  }
0x134: {  	v8 =	vmul.f32 v17, v8;
	[tilespmem:s30+$0x7480] =	vst v10  }
0x135: {  	[tilespmem:s30+$0x7500] =	vst v9  }
0x136: {  	[tilespmem:s30+$0x7580] =	vst v8  }
0x137: {  	s3 =	simm.s32 $0x4C00;
	s0 =	rddreg [dreg:$0x17]  }
0x138: {  	[hbm4b:s0+s4] =	stream.linear.scatter [tilespmem:s3], [sflag:$0x3], $0x1400, $0x38;
	[tilespmem:$0x8800] =	vst v63  }
0x139: {  	s7 =	simm.s32 $0x2;
	s6 =	simm.s32 $0x7400;
	s5 =	rddreg [dreg:$0x18]  }
0x13a: {  	[hbm4b:s5+s4] =	stream.linear.scatter [tilespmem:s6], [sflag:$0x3], $0xA00, $0x38;
	[tilespmem:$0x8800] =	vst v63  }
0x13b: {  	_ =	swait.ge [sflag:s7], $0x1400  }
0x13c: {  	[sflag:s7] =	ssyncset.done $0x0  }
0x13d: {  	[sflag:s7] =	ssyncadd.s32 $0xFFFFEC00  }
0x13e: {  	_ =	swait.ge [sflag:s7], $0xA00  }
0x13f: {  	[sflag:s7] =	ssyncset.done $0x0  }
0x140: {  	[sflag:s7] =	ssyncadd.s32 $0xFFFFF600  }
0x141: {  	_ =	swait.ge [sflag:s7], $0x280  }
0x142: {  	[sflag:s7] =	ssyncset.done $0x0  }
0x143: {  	[sflag:s7] =	ssyncadd.s32 $0xFFFFFD80  }
0x144: {  	s8 =	simm.s32 $0x280;
	_ =	swait.ge [sflag:s7], $0x500  }
0x145: {  	s10 =	simm.s32 $0x1400;
	s6 =	sand.u32 $0x60, s8;
	[sflag:s7] =	ssyncset.done $0x0  }
0x146: {  	[sflag:s7] =	ssyncadd.s32 $0xFFFFFB00;
	s7 =	sor.u32 s6, s10  }
0x147: {  	s9 =	sor.u32 $0x10, s6;
	v8 =	vld [tilespmem:s7+$0x180]  }
0x148: {  	s11 =	sor.u32 s9, s10;
	v9 =	vld [tilespmem:s7+$0x300]  }
0x149: {  	v10 =	vld [tilespmem:s11+$0x180]  }
0x14a: {  	v11 =	vld [tilespmem:s7+$0x100];
	_ =	sdelay $0x2  }
0x14b: {  	v8 =	vsub.f32 $0.0e+00, v8  }
0x14c: {  	v12 =	vld [tilespmem:s11+$0x100];
	v9 =	vmul.f32 $1.442695020e+00, v9;
	v10 =	vsub.f32 $0.0e+00, v10  }
0x14d: {  	v11 =	vsub.f32 $0.0e+00, v11;
	v8 =	vmul.f32 $1.442695020e+00, v8  }
0x14e: {  	(erf) = vpow2.f32 v9;
	v9 =	vmul.f32 $1.442695020e+00, v10  }
0x14f: {  	(erf) = vpow2.f32 v8;
	v8 =	vmul.f32 $1.442695020e+00, v11  }
0x150: {  	(erf) = vpow2.f32 v9  }
0x151: {  	v13 =	vld [tilespmem:s7+$0x400];
	v10 =	vsub.f32 $0.0e+00, v12;
	(erf) = vpow2.f32 v8  }
0x152: {  	v9 =	vld [tilespmem:s11+$0x400]  }
0x153: {  	s26 =	simm.s32 $0x2A0;
	v11 =	vld [tilespmem:s7+$0x380];
	v10 =	vmul.f32 $1.442695020e+00, v10  }
0x154: {  	s29 =	simm.s32 $0x1400;
	s22 =	sand.u32 $0x60, s26;
	v12 =	vld [tilespmem:s11+$0x380]  }
0x155: {  	s24 =	sor.u32 s22, s29;
	v8 =	vld [tilespmem:s11+$0x280];
	(erf) = vpow2.f32 v10  }
0x156: {  	v20 =	vld [tilespmem:s24+$0x300]  }
0x157: {  	s20 =	sor.u32 $0x10, s22;
	v14 =	vld [tilespmem:s7+$0x200];
	v10 =	vmul.f32 $1.442695020e+00, v9;
	v9 =	vpop (erf)  }
0x158: {  	s28 =	sor.u32 s20, s29;
	s30 =	simm.s32 $0x2C0;
	v16 =	vld [tilespmem:s7+$0x280];
	v11 =	vmul.f32 $1.442695020e+00, v11;
	v15 =	vpop (erf)  }
0x159: {  	s23 =	sand.u32 $0x60, s30;
	v22 =	vld [tilespmem:s28+$0x100];
	(erf) = vpow2.f32 v10;
	v10 =	vmul.f32 $1.442695020e+00, v12;
	v17 =	vpop (erf)  }
0x15a: {  	s21 =	sor.u32 $0x10, s23;
	s5 =	simm.s32 $0x1400;
	v13 =	vmul.f32 $1.442695020e+00, v13;
	v8 =	vsub.f32 $0.0e+00, v8;
	v18 =	vpop (erf);
	(erf) = vpow2.f32 v11;
	v11 =	vld [tilespmem:s11+$0x200]  }
0x15b: {  	s31 =	sor.u32 s21, s5;
	v20 =	vmul.f32 $1.442695020e+00, v20;
	(erf) = vpow2.f32 v10;
	v10 =	vadd.f32 $1.000000000e+00, v18;
	v18 =	vld [tilespmem:s11+$0x300]  }
0x15c: {  	v50 =	vld [tilespmem:s31+$0x400];
	v14 =	vsub.f32 $0.0e+00, v14;
	v8 =	vmul.f32 $1.442695020e+00, v8;
	(erf) = vpow2.f32 v13  }
0x15d: {  	v57 =	vld [tilespmem:s31+$0x180];
	v15 =	vadd.f32 $1.000000000e+00, v15;
	(erf) = vrcp.f32 v10;
	v10 =	vsub.f32 $0.0e+00, v16  }
0x15e: {  	v14 =	vmul.f32 $1.442695020e+00, v14;
	v19 =	vpop (erf);
	(erf) = vpow2.f32 v8  }
0x15f: {  	s25 =	simm.s32 $0x3F80;
	v13 =	vld [tilespmem:s24+$0x180];
	v8 =	vadd.f32 $1.000000000e+00, v19;
	(erf) = vrcp.f32 v15;
	v10 =	vmul.f32 $1.442695020e+00, v10  }
0x160: {  	v12 =	vld [tilespmem:s25+$0x0];
	v11 =	vsub.f32 $0.0e+00, v11;
	(erf) = vpow2.f32 v14;
	v14 =	vmul.f32 $1.442695020e+00, v18  }
0x161: {  	v22 =	vsub.f32 $0.0e+00, v22;
	v34 =	vmul.f32 $1.442695020e+00, v50;
	v18 =	vld [tilespmem:s28+$0x180];
	(erf) = vrcp.f32 v8  }
0x162: {  	v39 =	vsub.f32 $0.0e+00, v57;
	v19 =	vpop (erf);
	v11 =	vmul.f32 $1.442695020e+00, v11;
	(erf) = vpow2.f32 v10;
	v10 =	vld [tilespmem:s24+$0x100]  }
0x163: {  	v22 =	vmul.f32 $1.442695020e+00, v22;
	v21 =	vpop (erf);
	(erf) = vpow2.f32 v14  }
0x164: {  	v25 =	vld [tilespmem:s24+$0x280];
	v39 =	vmul.f32 $1.442695020e+00, v39;
	v13 =	vsub.f32 $0.0e+00, v13;
	v14 =	vpop (erf);
	(erf) = vpow2.f32 v11  }
0x165: {  	v9 =	vmul.f32 v9, v5;
	vm0 =	vge.f32 v12, $8.999999760e-01;
	v12 =	vld [tilespmem:s28+$0x280];
	v11 =	vmul.f32 v14, v6;
	v14 =	vpop (erf)  }
0x166: {  	v16 =	vld [tilespmem:s28+$0x400];
	v13 =	vmul.f32 $1.442695020e+00, v13;
	v18 =	vsub.f32 $0.0e+00, v18;
	v24 =	vmul.f32 v14, v4;
	v14 =	vpop (erf)  }
0x167: {  	v15 =	vld [tilespmem:s28+$0x300];
	(erf) = vpow2.f32 v20;
	v20 =	vpop (erf);
	v10 =	vsub.f32 $0.0e+00, v10;
	v14 =	vmul.f32 $1.570796370e+00, v14  }
0x168: {  	v26 =	vld [tilespmem:s28+$0x200];
	v17 =	vadd.f32 $1.000000000e+00, v17;
	v8 =	vsel vm0, $0x3F800000, v3;
	v18 =	vmul.f32 $1.442695020e+00, v18;
	v27 =	vpop (erf)  }
0x169: {  	v28 =	vld [tilespmem:s24+$0x380];
	v29 =	vpop (erf);
	(erf) = vpow2.f32 v13;
	v10 =	vmul.f32 $1.442695020e+00, v10;
	v14 =	vadd.f32 v14, v7  }
0x16a: {  	s1 =	sand.u32 $0x780, s8;
	v19 =	vmul.f32 v19, v4;
	v12 =	vsub.f32 $0.0e+00, v12;
	v30 =	vpop (erf);
	(erf) = vpow2.f32 v18  }
0x16b: {  	s1 =	sor.u32 s9, s1;
	v16 =	vmul.f32 $1.442695020e+00, v16;
	v20 =	vadd.f32 $1.000000000e+00, v20;
	v31 =	vpop (erf);
	(erf) = vpow2.f32 v10;
	v10 =	vld [tilespmem:s28+$0x380]  }
0x16c: {  	v23 =	vld [tilespmem:s1+$0x3D00];
	v15 =	vmul.f32 $1.442695020e+00, v15;
	v13 =	vmul.f32 $1.442695020e+00, v12;
	v18 =	vsub.f32 $0.0e+00, v25;
	v48 =	vpop (erf)  }
0x16d: {  	v12 =	vld [tilespmem:s24+$0x200];
	(erf) = vrcp.f32 v20;
	v20 =	vsub.f32 $0.0e+00, v26;
	v26 =	vmul.f32 v14, v8;
	v14 =	vpop (erf)  }
0x16e: {  	v25 =	vld [tilespmem:s24+$0x400];
	(erf) = vrcp.f32 v17;
	v17 =	vmul.f32 $1.442695020e+00, v28;
	v14 =	vadd.f32 $1.000000000e+00, v14  }
0x16f: {  	v28 =	vmul.f32 $1.442695020e+00, v18;
	(erf) = vpow2.f32 v22  }
0x170: {  	(erf) = vpow2.f32 v16;
	v16 =	vmul.f32 $1.442695020e+00, v10  }
0x171: {  	v58 =	vld [tilespmem:s31+$0x100];
	vm0 =	vge.f32 v23, $8.999999760e-01;
	v22 =	vmul.f32 $1.570796370e+00, v30;
	(erf) = vrcp.f32 v14  }
0x172: {  	s4 =	simm.s32 $0x3FA0;
	v32 =	vmul.f32 v48, v5;
	v12 =	vsub.f32 $0.0e+00, v12;
	v14 =	vpop (erf);
	(erf) = vpow2.f32 v17  }
0x173: {  	v30 =	vld [tilespmem:s4+$0x0];
	v49 =	vmul.f32 $1.442695020e+00, v20;
	v23 =	vmul.f32 $1.442695020e+00, v25;
	v22 =	vadd.f32 v22, v7;
	v25 =	vpop (erf)  }
0x174: {  	s8 =	simm.s32 $0x4700;
	s25 =	sor.u32 s23, s5;
	v10 =	vsel vm0, $0x3F800000, v3;
	v17 =	vmul.f32 $1.442695020e+00, v12;
	(erf) = vpow2.f32 v16;
	v16 =	vpop (erf)  }
0x175: {  	s12 =	sor.u32 s6, s8;
	v56 =	vld [tilespmem:s25+$0x280];
	[tilespmem:s7+$0x4C00] =	vst v26;
	v12 =	vmul.f32 v19, v10;
	v19 =	vmul.f32 v22, v10;
	v18 =	vpop (erf)  }
0x176: {  	v35 =	vsub.f32 $0.0e+00, v58;
	v22 =	vmul.f32 v21, v6;
	v21 =	vmul.f32 v24, v8;
	v24 =	vld [tilespmem:s12+$0x0];
	v20 =	vpop (erf)  }
0x177: {  	v32 =	vmul.f32 v32, v10;
	(erf) = vpow2.f32 v23;
	v51 =	vadd.f32 $1.000000000e+00, v18;
	v23 =	vpop (erf)  }
0x178: {  	s13 =	sor.u32 s9, s8;
	vm0 =	vge.f32 v30, $8.999999760e-01;
	v58 =	vmul.f32 v14, v5;
	[tilespmem:s11+$0x4C00] =	vst v19;
	v19 =	vmul.f32 v11, v10;
	v52 =	vpop (erf)  }
0x179: {  	v25 =	vadd.f32 $1.000000000e+00, v25;
	v11 =	vld [tilespmem:s13+$0x0];
	v18 =	vmul.f32 v22, v8;
	(erf) = vrcp.f32 v51;
	v53 =	vpop (erf)  }
0x17a: {  	v22 =	vmul.f32 v9, v8;
	v9 =	vadd.f32 $1.000000000e+00, v29;
	(erf) = vpow2.f32 v13;
	v30 =	vpop (erf)  }
0x17b: {  	v54 =	vld [tilespmem:s25+$0x300];
	v24 =	vadd.f32 v27, v24;
	v27 =	vsub.f32 $0.0e+00, v56;
	v29 =	vpop (erf);
	(erf) = vrcp.f32 v25  }
0x17c: {  	v26 =	vld [tilespmem:s25+$0x180];
	v20 =	vmul.f32 v20, v10;
	v25 =	vadd.f32 $1.000000000e+00, v52;
	(erf) = vpow2.f32 v17  }
0x17d: {  	v13 =	vld [tilespmem:s31+$0x300];
	v24 =	vadd.f32 $5.000000000e-01, v24;
	v27 =	vmul.f32 $1.442695020e+00, v27;
	(erf) = vrcp.f32 v9  }
0x17e: {  	v37 =	vmul.f32 v53, v4;
	v11 =	vadd.f32 v23, v11;
	(erf) = vrcp.f32 v25  }
0x17f: {  	v62 =	vld [tilespmem:s25+$0x200];
	v24 =	vmul.f32 v24, v8;
	v17 =	vadd.f32 $1.000000000e+00, v31;
	(erf) = vpow2.f32 v28  }
0x180: {  	v52 =	vld [tilespmem:s31+$0x380];
	v55 =	vpop (erf);
	v25 =	vmul.f32 $1.442695020e+00, v54;
	(erf) = vpow2.f32 v15  }
0x181: {  	v11 =	vadd.f32 $5.000000000e-01, v11;
	v28 =	vld [tilespmem:s25+$0x100];
	v15 =	vpop (erf);
	(erf) = vrcp.f32 v17;
	v17 =	vsub.f32 $0.0e+00, v26  }
0x182: {  	v31 =	vld [tilespmem:s31+$0x280];
	v23 =	vmul.f32 $1.442695020e+00, v13;
	v26 =	vpop (erf);
	(erf) = vpow2.f32 v49  }
0x183: {  	v13 =	vld [tilespmem:s31+$0x200];
	v11 =	vmul.f32 v11, v10;
	v59 =	vpop (erf);
	v17 =	vmul.f32 $1.442695020e+00, v17  }
0x184: {  	s0 =	sand.u32 $0x780, s26;
	v53 =	vsub.f32 $0.0e+00, v62;
	v29 =	vmul.f32 v29, v6;
	(erf) = vpow2.f32 v25;
	v25 =	vpop (erf)  }
0x185: {  	s0 =	sor.u32 s20, s0;
	v36 =	vmul.f32 v55, v6;
	v9 =	vsel vm0, $0x3F800000, v3;
	[tilespmem:s11+$0x4C80] =	vst v11;
	v11 =	vmul.f32 $1.442695020e+00, v35;
	v41 =	vpop (erf)  }
0x186: {  	v60 =	vld [tilespmem:s0+$0x3D00];
	v55 =	vmul.f32 $1.442695020e+00, v52;
	v26 =	vmul.f32 $1.570796370e+00, v26;
	v28 =	vsub.f32 $0.0e+00, v28;
	v48 =	vpop (erf)  }
0x187: {  	v15 =	vmul.f32 v15, v4;
	v31 =	vsub.f32 $0.0e+00, v31;
	(erf) = vpow2.f32 v17;
	v17 =	vpop (erf)  }
0x188: {  	v50 =	vld [tilespmem:s13+$0x80];
	v63 =	vsub.f32 $0.0e+00, v13;
	v13 =	vadd.f32 v26, v7;
	v26 =	vmul.f32 $1.442695020e+00, v28;
	v49 =	vpop (erf)  }
0x189: {  	v61 =	vld [tilespmem:s25+$0x380];
	v31 =	vmul.f32 $1.442695020e+00, v31;
	v33 =	vadd.f32 $1.000000000e+00, v59;
	(erf) = vpow2.f32 v39;
	v46 =	vpop (erf)  }
0x18a: {  	s14 =	simm.s32 $0x3FC0;
	v51 =	vmul.f32 v13, v9;
	v13 =	vadd.f32 $1.000000000e+00, v16;
	(erf) = vpow2.f32 v26;
	v16 =	vpop (erf)  }
0x18b: {  	vm0 =	vge.f32 v60, $8.999999760e-01;
	v54 =	vld [tilespmem:s14+$0x0];
	(erf) = vrcp.f32 v33;
	v38 =	vmul.f32 v16, v8;
	v16 =	vpop (erf)  }
0x18c: {  	[tilespmem:s7+$0x4C80] =	vst v24;
	v14 =	vmul.f32 v15, v9;
	(erf) = vrcp.f32 v13;
	v13 =	vadd.f32 $1.000000000e+00, v16  }
0x18d: {  	s8 =	simm.s32 $0x2E0;
	v30 =	vadd.f32 v30, v50;
	v17 =	vmul.f32 $1.570796370e+00, v17;
	(erf) = vpow2.f32 v11;
	v16 =	vld [tilespmem:s12+$0x80]  }
0x18e: {  	s16 =	simm.s32 $0x1400;
	s1 =	sand.u32 $0x60, s8;
	v28 =	vld [tilespmem:s25+$0x400];
	v26 =	vmul.f32 $1.442695020e+00, v61;
	v11 =	vsel vm0, $0x3F800000, v3;
	(erf) = vpow2.f32 v34  }
0x18f: {  	s2 =	sor.u32 s1, s16;
	v33 =	vmul.f32 $1.442695020e+00, v53;
	v17 =	vadd.f32 v17, v7;
	v24 =	vmul.f32 v37, v11  }
0x190: {  	vm1 =	vge.f32 v54, $8.999999760e-01;
	v37 =	vmul.f32 $1.442695020e+00, v63;
	v63 =	vld [tilespmem:s2+$0x300];
	(erf) = vrcp.f32 v13;
	v13 =	vpop (erf)  }
0x191: {  	v57 =	vld [tilespmem:s2+$0x180];
	v17 =	vmul.f32 v17, v11;
	(erf) = vpow2.f32 v26;
	v26 =	vadd.f32 $5.000000000e-01, v30;
	v30 =	vpop (erf)  }
0x192: {  	s17 =	simm.s32 $0x4700;
	s15 =	simm.s32 $0x3FE0;
	[tilespmem:s11+$0x4E00] =	vst v32;
	v54 =	vmul.f32 v46, v5;
	(erf) = vpow2.f32 v55;
	v16 =	vadd.f32 v48, v16;
	v34 =	vpop (erf)  }
0x193: {  	s19 =	sor.u32 s20, s17;
	s0 =	sor.u32 $0x10, s1;
	v35 =	vld [tilespmem:s15+$0x0];
	v39 =	vadd.f32 $1.000000000e+00, v49;
	v28 =	vmul.f32 $1.442695020e+00, v28;
	v49 =	vmul.f32 v36, v11;
	[tilespmem:s28+$0x4C00] =	vst v17;
	v56 =	vpop (erf)  }
0x194: {  	s5 =	sor.u32 s0, s16;
	[tilespmem:s24+$0x4C00] =	vst v51;
	v17 =	vmul.f32 v29, v9;
	v61 =	vld [tilespmem:s19+$0x0];
	v26 =	vmul.f32 v26, v10;
	v16 =	vadd.f32 $5.000000000e-01, v16;
	v59 =	vpop (erf)  }
0x195: {  	v51 =	vld [tilespmem:s5+$0x280];
	[tilespmem:s7+$0x4E80] =	vst v18;
	v55 =	vmul.f32 $1.442695020e+00, v63;
	(erf) = vpow2.f32 v28;
	v40 =	vadd.f32 $1.000000000e+00, v56;
	v60 =	vpop (erf)  }
0x196: {  	s18 =	sor.u32 s22, s17;
	[tilespmem:s7+$0x4E00] =	vst v22;
	v22 =	vsub.f32 $0.0e+00, v57;
	v28 =	vld [tilespmem:s5+$0x400];
	v50 =	vmul.f32 v16, v8;
	v16 =	vmul.f32 v58, v9;
	v29 =	vpop (erf)  }
0x197: {  	v45 =	vld [tilespmem:s18+$0x0];
	[tilespmem:s7+$0x4F00] =	vst v21;
	v30 =	vadd.f32 $1.000000000e+00, v30;
	v44 =	vmul.f32 v59, v11;
	v52 =	vpop (erf);
	(erf) = vrcp.f32 v40  }
0x198: {  	s26 =	simm.s32 $0xA00;
	v62 =	vadd.f32 $1.000000000e+00, v41;
	[tilespmem:s7+$0x4D80] =	vst v38;
	v58 =	vmul.f32 $1.442695020e+00, v22;
	(erf) = vpow2.f32 v31;
	v31 =	vld [tilespmem:s5+$0x300]  }
0x199: {  	s14 =	sor.u32 s6, s26;
	v63 =	vld [tilespmem:s2+$0x200];
	v53 =	vadd.f32 v60, v61;
	v60 =	vmul.f32 v54, v11;
	[tilespmem:s7+$0x4D00] =	vst v50;
	v43 =	vpop (erf);
	(erf) = vrcp.f32 v30  }
0x19a: {  	[tilespmem:s11+$0x4D80] =	vst v20;
	v20 =	vadd.f32 $1.000000000e+00, v29;
	v52 =	vmul.f32 v52, v4;
	v61 =	vld [tilespmem:s14+$0x2A80];
	v15 =	vpop (erf);
	(erf) = vpow2.f32 v33  }
0x19b: {  	[tilespmem:s11+$0x4E80] =	vst v19;
	v56 =	vld [tilespmem:s5+$0x100];
	v36 =	vmul.f32 $1.442695020e+00, v28;
	v28 =	vpop (erf);
	(erf) = vrcp.f32 v62  }
0x19c: {  	[tilespmem:s11+$0x4F00] =	vst v12;
	v32 =	vadd.f32 $5.000000000e-01, v53;
	v19 =	vmul.f32 v28, v6;
	v28 =	vld [tilespmem:s5+$0x180];
	(erf) = vrcp.f32 v20  }
0x19d: {  	s9 =	sor.u32 s9, s26;
	vm0 =	vge.f32 v35, $8.999999760e-01;
	[tilespmem:s11+$0x4D00] =	vst v26;
	(erf) = vpow2.f32 v27;
	v27 =	vld [tilespmem:s2+$0x100];
	v20 =	vmul.f32 $1.442695020e+00, v31  }
0x19e: {  	v31 =	vmul.f32 v32, v11;
	(erf) = vpow2.f32 v23;
	v23 =	vadd.f32 v25, v45;
	v25 =	vld [tilespmem:s9+$0x2900]  }
0x19f: {  	v21 =	vsub.f32 $0.0e+00, v51;
	v53 =	vld [tilespmem:s14+$0x2980];
	v26 =	vpop (erf);
	v41 =	vmul.f32 v61, v8;
	(erf) = vrcp.f32 v39  }
0x1a0: {  	s29 =	sand.u32 $0x780, s30;
	v29 =	vld [tilespmem:s2+$0x280];
	v18 =	vmul.f32 v26, v4;
	[tilespmem:s28+$0x4C80] =	vst v31;
	v31 =	vsub.f32 $0.0e+00, v56;
	v26 =	vpop (erf);
	(erf) = vpow2.f32 v37  }
0x1a1: {  	s10 =	sor.u32 s21, s29;
	v39 =	vld [tilespmem:s2+$0x380];
	v59 =	vsub.f32 $0.0e+00, v28;
	v28 =	vmul.f32 $1.442695020e+00, v21;
	v26 =	vmul.f32 $1.570796370e+00, v26;
	v57 =	vpop (erf)  }
0x1a2: {  	v37 =	vld [tilespmem:s10+$0x3D00];
	v23 =	vadd.f32 $5.000000000e-01, v23;
	(erf) = vpow2.f32 v55;
	v22 =	vpop (erf);
	v27 =	vsub.f32 $0.0e+00, v27  }
0x1a3: {  	v47 =	vld [tilespmem:s19+$0x80];
	[tilespmem:s28+$0x4E00] =	vst v60;
	v21 =	vmul.f32 $1.442695020e+00, v59;
	v46 =	vpop (erf);
	v62 =	vmul.f32 v25, v10;
	v25 =	vadd.f32 v26, v7  }
0x1a4: {  	v60 =	vld [tilespmem:s14+$0x2A00];
	[tilespmem:s28+$0x4F00] =	vst v24;
	v24 =	vsub.f32 $0.0e+00, v63;
	v63 =	vmul.f32 v53, v8;
	(erf) = vpow2.f32 v58;
	v32 =	vpop (erf)  }
0x1a5: {  	v30 =	vld [tilespmem:s5+$0x200];
	v35 =	vadd.f32 $1.000000000e+00, v57;
	v26 =	vmul.f32 $1.442695020e+00, v27;
	(erf) = vpow2.f32 v21;
	v57 =	vpop (erf)  }
0x1a6: {  	v12 =	vsel vm1, $0x3F800000, v3;
	v54 =	vmul.f32 $1.442695020e+00, v31;
	v61 =	vmul.f32 v23, v9;
	v27 =	vld [tilespmem:s2+$0x400];
	v59 =	vpop (erf)  }
0x1a7: {  	v29 =	vsub.f32 $0.0e+00, v29;
	v55 =	vmul.f32 v25, v12;
	v25 =	vpop (erf);
	(erf) = vpow2.f32 v26  }
0x1a8: {  	v58 =	vadd.f32 $1.000000000e+00, v34;
	v45 =	vmul.f32 $1.442695020e+00, v39;
	vm1 =	vge.f32 v37, $8.999999760e-01  }
0x1a9: {  	v40 =	vld [tilespmem:s14+$0x2900];
	[tilespmem:s28+$0x4D80] =	vst v44;
	v43 =	vadd.f32 v43, v47;
	v37 =	vmul.f32 $1.442695020e+00, v24;
	v39 =	vmul.f32 v60, v8  }
0x1aa: {  	v33 =	vsub.f32 $0.0e+00, v30;
	v30 =	vld [tilespmem:s9+$0x2A00];
	[tilespmem:s9+$0x7400] =	vst v62;
	v62 =	vmul.f32 $1.570796370e+00, v57;
	v26 =	vpop (erf);
	(erf) = vrcp.f32 v35  }
0x1ab: {  	[tilespmem:s28+$0x4E80] =	vst v49;
	v47 =	vld [tilespmem:s5+$0x380];
	v21 =	vsel vm1, $0x3F800000, v3;
	v44 =	vmul.f32 $1.442695020e+00, v27;
	v27 =	vpop (erf);
	(erf) = vrcp.f32 v58  }
0x1ac: {  	s30 =	sand.u32 $0x780, s8;
	s6 =	simm.s32 $0xA00;
	v31 =	vld [tilespmem:s9+$0x2980];
	[tilespmem:s14+$0x7480] =	vst v63;
	v24 =	vmul.f32 v52, v21;
	v35 =	vadd.f32 $1.000000000e+00, v46;
	v46 =	vadd.f32 $5.000000000e-01, v43;
	v23 =	vpop (erf)  }
0x1ad: {  	s15 =	simm.s32 $0x4000;
	s13 =	sor.u32 s0, s30;
	s12 =	simm.s32 $0x4700;
	v34 =	vld [tilespmem:s9+$0x2A80];
	[tilespmem:s24+$0x4C80] =	vst v61;
	v38 =	vmul.f32 v26, v9;
	(erf) = vpow2.f32 v54;
	v48 =	vadd.f32 $1.000000000e+00, v27;
	v43 =	vpop (erf)  }
0x1ae: {  	s11 =	simm.s32 $0xA00;
	s7 =	simm.s32 $0xA00;
	s10 =	simm.s32 $0x4700;
	v42 =	vld [tilespmem:s18+$0x80];
	[tilespmem:s25+$0x4C00] =	vst v55;
	v26 =	vadd.f32 $1.000000000e+00, v59;
	v27 =	vpop (erf);
	(erf) = vpow2.f32 v36;
	v36 =	vadd.f32 v62, v7  }
.LBB3_4:
0x1af: {  	s8 =	sadd.s32 $0x20, s8;
	v49 =	vld [tilespmem:s15+$0x0];
	v29 =	vmul.f32 $1.442695020e+00, v29;
	(erf) = vrcp.f32 v48  }
0x1b0: {  	s16 =	sshrl.u32 s8, $0x7;
	s17 =	sand.u32 $0x60, s8;
	s18 =	sand.u32 $0x780, s8;
	v47 =	vmul.f32 $1.442695020e+00, v47;
	v48 =	vpop (erf);
	v50 =	vmul.f32 v36, v21;
	[tilespmem:s24+$0x4D80] =	vst v38  }
0x1b1: {  	v33 =	vmul.f32 $1.442695020e+00, v33;
	p0 =	slt.u32 s8, $0x4E0;
	s19 =	sshll.u32 s16, $0xA;
	s3 =	sor.u32 $0x10, s17;
	(erf) = vpow2.f32 v45;
	[tilespmem:s14+$0x7580] =	vst v41  }
0x1b2: {  	s29 =	sor.u32 s17, s19;
	s4 =	sor.u32 s3, s19;
	v36 =	vld [tilespmem:s13+$0x3D00];
	s13 =	sor.u32 s3, s18;
	(erf) = vpow2.f32 v47;
	[tilespmem:s24+$0x4E80] =	vst v17;
	v17 =	vmul.f32 v46, v11  }
0x1b3: {  	v13 =	vmul.f32 v13, v5;
	v38 =	vmul.f32 v40, v8;
	s26 =	sshll.u32 s16, $0x9;
	s16 =	sor.u32 s23, s12;
	s18 =	sshrl.u32 s19, $0x2;
	v41 =	vld [tilespmem:s29+$0x180];
	[tilespmem:s31+$0x4C00] =	vst v50;
	v45 =	vpop (erf);
	v32 =	vadd.f32 v32, v42  }
0x1b4: {  	v15 =	vmul.f32 v15, v6;
	v8 =	vmov v9;
	s18 =	sadd.s32 $0x4200, s18;
	(erf) = vpow2.f32 v44;
	v44 =	vld [tilespmem:s16+$0x0];
	v42 =	vpop (erf);
	[tilespmem:s28+$0x4D00] =	vst v17;
	s28 =	smov.u32 s31;
	s31 =	smov.u32 s5  }
0x1b5: {  	v18 =	vmul.f32 v18, v12;
	s30 =	sor.u32 s21, s12;
	v31 =	vmul.f32 v31, v10;
	v9 =	vmovc v12;
	s12 =	smov.u32 s10;
	v47 =	vadd.f32 $1.000000000e+00, v48;
	s5 =	smov.u32 s4;
	v46 =	vld [tilespmem:s4+$0x400];
	[tilespmem:s14+$0x7500] =	vst v39  }
0x1b6: {  	v30 =	vmul.f32 v30, v10;
	v17 =	vmul.f32 v15, v9;
	s10 =	smov.u32 s18;
	v15 =	vadd.f32 $5.000000000e-01, v32;
	v39 =	vpop (erf);
	v48 =	vld [tilespmem:s30+$0x0];
	[tilespmem:s14+$0x7400] =	vst v38  }
0x1b7: {  	v12 =	vsel vm0, $0x3F800000, v3;
	vm0 =	vge.f32 v49, $8.999999760e-01;
	v32 =	vld [tilespmem:s5+$0x280];
	v49 =	vpop (erf);
	[tilespmem:s9+$0x7480] =	vst v31;
	v31 =	vmul.f32 v34, v10  }
0x1b8: {  	v34 =	vmul.f32 v19, v21;
	v50 =	vmul.f32 v15, v8;
	v10 =	vmov v11;
	v38 =	vld [tilespmem:s29+$0x380];
	v40 =	vpop (erf);
	[tilespmem:s9+$0x7500] =	vst v30  }
0x1b9: {  	v51 =	vadd.f32 $1.000000000e+00, v43;
	v11 =	vmovc v21;
	v30 =	vld [tilespmem:s29+$0x300];
	(erf) = vrcp.f32 v47;
	[tilespmem:s24+$0x4E00] =	vst v16;
	v16 =	vmul.f32 v13, v9;
	v13 =	vmovc v23  }
0x1ba: {  	v43 =	vmul.f32 v45, v11;
	v23 =	vadd.f32 $1.000000000e+00, v39;
	v21 =	vld [tilespmem:s5+$0x300];
	v15 =	vpop (erf);
	(erf) = vpow2.f32 v28;
	[tilespmem:s9+$0x7580] =	vst v31  }
0x1bb: {  	v39 =	vmul.f32 $1.442695020e+00, v46;
	v45 =	vld [tilespmem:s5+$0x200];
	(erf) = vrcp.f32 v51;
	v19 =	vpop (erf);
	v28 =	vadd.f32 v42, v48  }
0x1bc: {  	s9 =	sor.u32 s20, s11;
	s20 =	smov.u32 s21;
	s21 =	smov.u32 s0;
	v42 =	vmul.f32 v49, v4;
	v31 =	vld [tilespmem:s29+$0x280];
	(erf) = vpow2.f32 v37  }
0x1bd: {  	s0 =	smov.u32 s3;
	v19 =	vmul.f32 v19, v6;
	v37 =	vpop (erf);
	v28 =	vadd.f32 $5.000000000e-01, v28;
	(erf) = vrcp.f32 v35;
	v35 =	vld [tilespmem:s9+$0x2900]  }
0x1be: {  	v46 =	vld [tilespmem:s5+$0x180];
	(erf) = vrcp.f32 v23;
	v23 =	vmul.f32 v25, v5  }
0x1bf: {  	v25 =	vmul.f32 $1.442695020e+00, v30;
	v47 =	vld [tilespmem:s5+$0x100];
	(erf) = vpow2.f32 v29;
	[tilespmem:s24+$0x4F00] =	vst v14;
	v14 =	vmov v18  }
0x1c0: {  	s14 =	sor.u32 s22, s11;
	s22 =	smov.u32 s23;
	s23 =	smov.u32 s1;
	v48 =	vld [tilespmem:s29+$0x100];
	(erf) = vpow2.f32 v20;
	v20 =	vmul.f32 $1.442695020e+00, v21;
	v21 =	vadd.f32 v22, v44;
	[tilespmem:s24+$0x4D00] =	vst v50  }
0x1c1: {  	s1 =	smov.u32 s17;
	v18 =	vmul.f32 v37, v4;
	s24 =	smov.u32 s25;
	s25 =	smov.u32 s2;
	v29 =	vsub.f32 $0.0e+00, v31;
	(erf) = vrcp.f32 v26;
	v49 =	vld [tilespmem:s14+$0x2980]  }
0x1c2: {  	s11 =	smov.u32 s7;
	s7 =	smov.u32 s6;
	v30 =	vsub.f32 $0.0e+00, v41;
	v28 =	vmul.f32 v28, v11;
	s2 =	smov.u32 s29;
	v26 =	vpop (erf);
	(erf) = vpow2.f32 v33;
	v37 =	vld [tilespmem:s14+$0x2A80]  }
0x1c3: {  	s6 =	smov.u32 s26;
	v52 =	vsub.f32 $0.0e+00, v32;
	(erf) = vpow2.f32 v25;
	v25 =	vmul.f32 $1.570796370e+00, v26;
	v26 =	vpop (erf);
	v31 =	vld [tilespmem:s9+$0x2980]  }
0x1c4: {  	v41 =	vmul.f32 $1.442695020e+00, v30;
	v23 =	vmul.f32 v23, v11;
	v33 =	vsub.f32 $0.0e+00, v46;
	v22 =	vpop (erf);
	[tilespmem:s28+$0x4C80] =	vst v28;
	v30 =	vld [tilespmem:s9+$0x2A00]  }
0x1c5: {  	v46 =	vsub.f32 $0.0e+00, v47;
	v28 =	vmul.f32 $1.442695020e+00, v52;
	v54 =	vsub.f32 $0.0e+00, v48;
	v48 =	vpop (erf);
	v47 =	vld [tilespmem:s30+$0x80]  }
0x1c6: {  	v51 =	vmul.f32 $1.442695020e+00, v33;
	v33 =	vsub.f32 $0.0e+00, v45;
	v50 =	vld [tilespmem:s2+$0x200];
	[tilespmem:s28+$0x4E00] =	vst v23;
	v32 =	vpop (erf);
	v23 =	vmul.f32 v35, v10  }
0x1c7: {  	v35 =	vadd.f32 $1.000000000e+00, v26;
	(erf) = vpow2.f32 v41;
	v41 =	vadd.f32 v25, v7;
	v52 =	vpop (erf);
	[tilespmem:s28+$0x4D80] =	vst v43;
	v53 =	vld [tilespmem:s14+$0x2A00]  }
0x1c8: {  	v27 =	vadd.f32 $1.000000000e+00, v27;
	v45 =	vmul.f32 $1.442695020e+00, v54;
	v43 =	vld [tilespmem:s2+$0x400];
	(erf) = vpow2.f32 v51;
	v44 =	vpop (erf);
	[tilespmem:s28+$0x4E80] =	vst v34  }
0x1c9: {  	vm1 =	vge.f32 v36, $8.999999760e-01;
	v51 =	vmul.f32 $1.442695020e+00, v46;
	v46 =	vmul.f32 v41, v12;
	v25 =	vpop (erf);
	[tilespmem:s28+$0x4F00] =	vst v24;
	v34 =	vld [tilespmem:s9+$0x2A80]  }
0x1ca: {  	v24 =	vadd.f32 $5.000000000e-01, v21;
	v41 =	vmul.f32 v37, v8;
	(erf) = vpow2.f32 v45;
	v26 =	vpop (erf);
	[tilespmem:s9+$0x7400] =	vst v23  }
0x1cb: {  	v21 =	vsel vm1, $0x3F800000, v3;
	v45 =	vmul.f32 $1.442695020e+00, v38;
	[tilespmem:s25+$0x4C00] =	vst v46;
	v36 =	vpop (erf);
	v38 =	vmul.f32 v26, v9  }
0x1cc: {  	v26 =	vadd.f32 $1.000000000e+00, v44;
	v54 =	vmul.f32 v24, v9;
	v24 =	vadd.f32 v40, v47;
	v23 =	vpop (erf)  }
.Ltmp1:
0x1cd: {  	v37 =	vsub.f32 $0.0e+00, v50;
	v44 =	vmul.f32 $1.442695020e+00, v43;
	(erf) = vrcp.f32 v35;
	v40 =	vld [tilespmem:s14+$0x2900];
	(pc) =	sbr.rel @p0 .LBB3_4-.Ltmp1, $4  }
0x1ce: {  	v50 =	vmul.f32 $1.570796370e+00, v52;
	v35 =	vadd.f32 $1.000000000e+00, v48;
	v47 =	vld [tilespmem:s5+$0x380];
	(erf) = vrcp.f32 v27  }
0x1cf: {  	v49 =	vmul.f32 v49, v8;
	v37 =	vmul.f32 $1.442695020e+00, v37;
	v46 =	vadd.f32 $5.000000000e-01, v24  }
0x1d0: {  	v48 =	vadd.f32 $1.000000000e+00, v36;
	v24 =	vmul.f32 v42, v21;
	v43 =	vpop (erf);
	(erf) = vpow2.f32 v51;
	[tilespmem:s24+$0x4C80] =	vst v54  }
0x1d1: {  	s15 =	sadd.s32 $0x20, s15;
	v36 =	vadd.f32 v50, v7;
	v27 =	vpop (erf);
	(erf) = vpow2.f32 v39;
	v42 =	vld [tilespmem:s16+$0x80];
	[tilespmem:s14+$0x7480] =	vst v49;
	v39 =	vmul.f32 v53, v8  }
0x1d2: {  	_ = 	snop  }
0x1d3: {  	(erf) = vrcp.f32 v48;
	v47 =	vmul.f32 $1.442695020e+00, v47  }
0x1d4: {  	[tilespmem:s14+$0x7580] =	vst v41;
	v56 =	vpop (erf);
	v36 =	vmul.f32 v36, v21;
	(erf) = vpow2.f32 v45  }
0x1d5: {  	[tilespmem:s24+$0x4D80] =	vst v38;
	s17 =	sor.u32 s23, s12;
	v57 =	vadd.f32 $1.000000000e+00, v56;
	(erf) = vpow2.f32 v47  }
0x1d6: {  	s3 =	sor.u32 s21, s12;
	v56 =	vld [tilespmem:s17+$0x0];
	[tilespmem:s31+$0x4C00] =	vst v36;
	(erf) = vpow2.f32 v44  }
0x1d7: {  	v60 =	vadd.f32 $1.000000000e+00, v43;
	v63 =	vmul.f32 v46, v11;
	[tilespmem:s24+$0x4E80] =	vst v17;
	v58 =	vpop (erf);
	v59 =	vld [tilespmem:s3+$0x0];
	(erf) = vrcp.f32 v57  }
0x1d8: {  	v8 =	vmul.f32 v40, v8;
	[tilespmem:s24+$0x4E00] =	vst v16;
	v48 =	vadd.f32 v32, v42;
	v61 =	vpop (erf);
	(erf) = vpow2.f32 v28  }
0x1d9: {  	v46 =	vmul.f32 v31, v10;
	[tilespmem:s24+$0x4F00] =	vst v14;
	v62 =	vpop (erf);
	(erf) = vrcp.f32 v60  }
0x1da: {  	[tilespmem:s14+$0x7400] =	vst v8;
	v8 =	vadd.f32 $5.000000000e-01, v48;
	v28 =	vadd.f32 $1.000000000e+00, v62;
	(erf) = vpow2.f32 v37  }
0x1db: {  	v30 =	vmul.f32 v30, v10;
	[tilespmem:s14+$0x7500] =	vst v39;
	v36 =	vpop (erf);
	v37 =	vadd.f32 v22, v56;
	(erf) = vrcp.f32 v35  }
0x1dc: {  	[tilespmem:s28+$0x4D00] =	vst v63;
	v8 =	vmul.f32 v8, v9;
	v45 =	vpop (erf);
	v43 =	vadd.f32 v61, v59;
	(erf) = vrcp.f32 v28  }
0x1dd: {  	v29 =	vmul.f32 $1.442695020e+00, v29;
	v51 =	vmul.f32 v34, v10;
	[tilespmem:s9+$0x7480] =	vst v46;
	v35 =	vpop (erf);
	v14 =	vadd.f32 $5.000000000e-01, v37  }
0x1de: {  	v53 =	vld [tilespmem:s13+$0x3D00];
	v33 =	vmul.f32 $1.442695020e+00, v33;
	v25 =	vmul.f32 v25, v5;
	s4 =	sor.u32 s22, s11;
	[tilespmem:s24+$0x4D00] =	vst v8;
	v47 =	vadd.f32 $5.000000000e-01, v43;
	v31 =	vpop (erf)  }
0x1df: {  	v19 =	vmul.f32 v19, v21;
	[tilespmem:s9+$0x7500] =	vst v30;
	v63 =	vld [tilespmem:s4+$0x2980];
	v14 =	vmul.f32 v14, v12;
	v28 =	vpop (erf)  }
0x1e0: {  	v15 =	vmul.f32 v15, v6;
	[tilespmem:s9+$0x7580] =	vst v51;
	v39 =	vld [tilespmem:s4+$0x2A80];
	v50 =	vmul.f32 v47, v21;
	v49 =	vpop (erf)  }
0x1e1: {  	v13 =	vmul.f32 v13, v5;
	v61 =	vmul.f32 v25, v21;
	[tilespmem:s25+$0x4C80] =	vst v14;
	v52 =	vpop (erf)  }
0x1e2: {  	v55 =	vmul.f32 v58, v21;
	(erf) = vpow2.f32 v29;
	v42 =	vld [tilespmem:s4+$0x2A00];
	[tilespmem:s31+$0x4C80] =	vst v50;
	v40 =	vpop (erf)  }
0x1e3: {  	v15 =	vmul.f32 v15, v12;
	(erf) = vpow2.f32 v20;
	v54 =	vld [tilespmem:s3+$0x80];
	[tilespmem:s31+$0x4E00] =	vst v61;
	v29 =	vpop (erf)  }
0x1e4: {  	vm1 =	vge.f32 v53, $8.999999760e-01;
	v34 =	vmul.f32 $1.570796370e+00, v49;
	(erf) = vrcp.f32 v26;
	[tilespmem:s31+$0x4D80] =	vst v55;
	v20 =	vpop (erf)  }
0x1e5: {  	s18 =	sor.u32 s20, s11;
	v57 =	vadd.f32 $1.000000000e+00, v52;
	[tilespmem:s31+$0x4E80] =	vst v19;
	v25 =	vmul.f32 v63, v9;
	v17 =	vmul.f32 v39, v9;
	v58 =	vpop (erf)  }
0x1e6: {  	v48 =	vld [tilespmem:s18+$0x2900];
	v59 =	vadd.f32 $1.000000000e+00, v27;
	[tilespmem:s31+$0x4F00] =	vst v24;
	(erf) = vpow2.f32 v33;
	v60 =	vmul.f32 $1.570796370e+00, v58  }
0x1e7: {  	v44 =	vld [tilespmem:s4+$0x2900];
	v55 =	vmul.f32 v42, v9;
	v41 =	vadd.f32 v34, v7;
	(erf) = vrcp.f32 v57;
	[tilespmem:s4+$0x7480] =	vst v25  }
0x1e8: {  	v50 =	vld [tilespmem:s18+$0x2980];
	[tilespmem:s4+$0x7580] =	vst v17;
	(erf) = vrcp.f32 v59;
	v62 =	vadd.f32 v60, v7;
	v7 =	vsel vm0, $0x3F800000, v3  }
0x1e9: {  	v8 =	vsel vm1, $0x3F800000, v3;
	v52 =	vld [tilespmem:s18+$0x2A00];
	[tilespmem:s4+$0x7500] =	vst v55;
	v10 =	vadd.f32 v45, v54;
	v45 =	vmul.f32 v41, v7  }
0x1ea: {  	v59 =	vld [tilespmem:s17+$0x80];
	[tilespmem:s25+$0x4E80] =	vst v15;
	v16 =	vmul.f32 v62, v8  }
0x1eb: {  	s19 =	sor.u32 s1, s10;
	v13 =	vmul.f32 v13, v12;
	v54 =	vld [tilespmem:s18+$0x2A80];
	[tilespmem:s2+$0x4C00] =	vst v45  }
0x1ec: {  	s8 =	sor.u32 s0, s10;
	v39 =	vmul.f32 v18, v12;
	v43 =	vpop (erf);
	[tilespmem:s5+$0x4C00] =	vst v16;
	v58 =	vld [tilespmem:s19+$0x0]  }
0x1ed: {  	v42 =	vmul.f32 v31, v6;
	v57 =	vmul.f32 v44, v9;
	[tilespmem:s25+$0x4E00] =	vst v13;
	v10 =	vadd.f32 $5.000000000e-01, v10;
	v46 =	vpop (erf);
	v47 =	vld [tilespmem:s8+$0x0]  }
0x1ee: {  	v63 =	vadd.f32 $1.000000000e+00, v29;
	[tilespmem:s25+$0x4F00] =	vst v39;
	v32 =	vadd.f32 $1.000000000e+00, v43;
	v60 =	vmul.f32 v50, v11;
	v49 =	vpop (erf)  }
0x1ef: {  	[tilespmem:s4+$0x7400] =	vst v57;
	v43 =	vmul.f32 v36, v4;
	v38 =	vadd.f32 v20, v59;
	v10 =	vmul.f32 v10, v21;
	v51 =	vpop (erf)  }
0x1f0: {  	v62 =	vmul.f32 v52, v11;
	[tilespmem:s18+$0x7480] =	vst v60;
	v33 =	vmul.f32 v54, v11;
	v53 =	vpop (erf);
	v16 =	vadd.f32 $1.000000000e+00, v51  }
0x1f1: {  	[tilespmem:s31+$0x4D00] =	vst v10;
	v10 =	vmul.f32 v48, v11;
	v11 =	vadd.f32 $5.000000000e-01, v38;
	v56 =	vpop (erf);
	v34 =	vadd.f32 v40, v58  }
0x1f2: {  	[tilespmem:s18+$0x7500] =	vst v62;
	v37 =	vmul.f32 v49, v12;
	(erf) = vrcp.f32 v16;
	v24 =	vadd.f32 v56, v47  }
0x1f3: {  	[tilespmem:s18+$0x7400] =	vst v10;
	v11 =	vmul.f32 v11, v12;
	(erf) = vrcp.f32 v63;
	v10 =	vadd.f32 $5.000000000e-01, v34  }
0x1f4: {  	[tilespmem:s18+$0x7580] =	vst v33;
	(erf) = vrcp.f32 v32;
	v40 =	vmul.f32 v46, v5;
	v61 =	vadd.f32 $5.000000000e-01, v24  }
0x1f5: {  	[tilespmem:s25+$0x4D80] =	vst v37;
	v46 =	vmul.f32 v35, v6;
	v10 =	vmul.f32 v10, v7  }
0x1f6: {  	[tilespmem:s25+$0x4D00] =	vst v11;
	v5 =	vmul.f32 v23, v5;
	v29 =	vmul.f32 v61, v8  }
0x1f7: {  	v4 =	vmul.f32 v28, v4;
	v6 =	vmul.f32 v46, v7;
	[tilespmem:s2+$0x4C80] =	vst v10  }
0x1f8: {  	s20 =	sor.u32 s23, s7;
	v5 =	vmul.f32 v5, v7;
	[tilespmem:s5+$0x4C80] =	vst v29;
	v10 =	vld [tilespmem:s19+$0x80]  }
0x1f9: {  	v4 =	vmul.f32 v4, v7;
	v48 =	vld [tilespmem:s20+$0x2980];
	[tilespmem:s2+$0x4E80] =	vst v6  }
0x1fa: {  	v52 =	vld [tilespmem:s20+$0x2900];
	v13 =	vmul.f32 v40, v8;
	[tilespmem:s2+$0x4E00] =	vst v5  }
0x1fb: {  	v14 =	vmul.f32 v53, v8;
	v41 =	vpop (erf);
	[tilespmem:s2+$0x4F00] =	vst v4  }
0x1fc: {  	s22 =	sor.u32 s21, s7;
	v44 =	vmul.f32 v42, v8;
	v9 =	vld [tilespmem:s8+$0x80];
	[tilespmem:s5+$0x4E00] =	vst v13;
	v45 =	vpop (erf)  }
0x1fd: {  	v53 =	vld [tilespmem:s22+$0x2900];
	v11 =	vmul.f32 v43, v8;
	[tilespmem:s5+$0x4D80] =	vst v14;
	v10 =	vadd.f32 v45, v10  }
0x1fe: {  	v51 =	vld [tilespmem:s20+$0x2A00];
	v54 =	vmul.f32 v48, v12;
	[tilespmem:s5+$0x4E80] =	vst v44  }
0x1ff: {  	v56 =	vmul.f32 v52, v12;
	v5 =	vld [tilespmem:s22+$0x2980];
	[tilespmem:s5+$0x4F00] =	vst v11;
	v47 =	vpop (erf);
	v10 =	vadd.f32 $5.000000000e-01, v10  }
0x200: {  	[tilespmem:s20+$0x7480] =	vst v54;
	v49 =	vmul.f32 v47, v7  }
0x201: {  	v4 =	vld [tilespmem:s22+$0x2A00];
	[tilespmem:s20+$0x7400] =	vst v56;
	v9 =	vadd.f32 v41, v9;
	v10 =	vmul.f32 v10, v7  }
0x202: {  	v55 =	vld [tilespmem:s22+$0x2A80];
	v6 =	vmul.f32 v53, v21;
	[tilespmem:s2+$0x4D80] =	vst v49  }
0x203: {  	s23 =	sor.u32 s1, s6;
	v50 =	vld [tilespmem:s20+$0x2A80];
	v13 =	vmul.f32 v51, v12;
	v9 =	vadd.f32 $5.000000000e-01, v9;
	[tilespmem:s2+$0x4D00] =	vst v10  }
0x204: {  	[tilespmem:s22+$0x7400] =	vst v6;
	v5 =	vmul.f32 v5, v21;
	v57 =	vld [tilespmem:s23+$0x2980]  }
0x205: {  	[tilespmem:s20+$0x7500] =	vst v13;
	v9 =	vmul.f32 v9, v8;
	v58 =	vld [tilespmem:s23+$0x2A80]  }
0x206: {  	v4 =	vmul.f32 v4, v21;
	[tilespmem:s22+$0x7480] =	vst v5;
	v59 =	vld [tilespmem:s23+$0x2A00]  }
0x207: {  	s24 =	sor.u32 s0, s6;
	v5 =	vmul.f32 v55, v21;
	[tilespmem:s5+$0x4D00] =	vst v9;
	v60 =	vld [tilespmem:s23+$0x2900]  }
0x208: {  	[tilespmem:s22+$0x7500] =	vst v4;
	v9 =	vmul.f32 v50, v12;
	v61 =	vld [tilespmem:s24+$0x2900]  }
0x209: {  	[tilespmem:s22+$0x7580] =	vst v5;
	v4 =	vld [tilespmem:s24+$0x2980];
	v11 =	vmul.f32 v57, v7  }
0x20a: {  	v5 =	vld [tilespmem:s24+$0x2A00];
	[tilespmem:s20+$0x7580] =	vst v9;
	v12 =	vmul.f32 v58, v7  }
0x20b: {  	v62 =	vld [tilespmem:s24+$0x2A80];
	v9 =	vmul.f32 v59, v7;
	[tilespmem:s23+$0x7480] =	vst v11  }
0x20c: {  	v6 =	vmul.f32 v60, v7;
	[tilespmem:s23+$0x7580] =	vst v12  }
0x20d: {  	v63 =	vmul.f32 v61, v8;
	[tilespmem:s23+$0x7500] =	vst v9  }
0x20e: {  	v4 =	vmul.f32 v4, v8;
	[tilespmem:s23+$0x7400] =	vst v6  }
0x20f: {  	v5 =	vmul.f32 v5, v8;
	[tilespmem:s24+$0x7400] =	vst v63  }
0x210: {  	[tilespmem:s24+$0x7480] =	vst v4;
	v4 =	vmul.f32 v62, v8  }
0x211: {  	[tilespmem:s24+$0x7500] =	vst v5  }
0x212: {  	[tilespmem:s24+$0x7580] =	vst v4  }
0x213: {  	s4 =	simm.s32 $0x0;
	s25 =	simm.s32 $0x6000;
	s0 =	rddreg [dreg:$0x19]  }
0x214: {  	[hbm4b:s0+s4] =	stream.linear.scatter [tilespmem:s25], [sflag:$0x3], $0x1400, $0x38;
	[tilespmem:$0x8800] =	vst v63  }
0x215: {  	s29 =	simm.s32 $0x3;
	s28 =	simm.s32 $0x7E00;
	s26 =	rddreg [dreg:$0x1a]  }
0x216: {  	[hbm4b:s26+s4] =	stream.linear.scatter [tilespmem:s28], [sflag:$0x3], $0xA00, $0x38;
	[tilespmem:$0x8800] =	vst v63  }
0x217: {  	_ =	swait.ge [sflag:s29], $0x1400  }
0x218: {  	[sflag:s29] =	ssyncset.done $0x0  }
0x219: {  	[sflag:s29] =	ssyncadd.s32 $0xFFFFEC00  }
0x21a: {  	_ =	swait.ge [sflag:s29], $0xA00  }
0x21b: {  	[sflag:s29] =	ssyncset.done $0x0  }
0x21c: {  	[sflag:s29] =	ssyncadd.s32 $0xFFFFF600  }
0x21d: {  	_ =	swait.ge [sflag:s29], $0x1400  }
0x21e: {  	[sflag:s29] =	ssyncset.done $0x0  }
0x21f: {  	[sflag:s29] =	ssyncadd.s32 $0xFFFFEC00  }
0x220: {  	_ =	swait.ge [sflag:s29], $0xA00  }
0x221: {  	s30 =	rddreg [dreg:$0x1c]  }
0x222: {  	s31 =	rddreg [dreg:$0x1b];
	s2 =	sadd.s32 $0x1, s30  }
0x223: {  	p0 =	sne.s32 s2, s31  }
.Ltmp2:
0x224: {  	_ = 	snop;
	(pc) =	sbr.rel @p0 .LBB3_1-.Ltmp2, $3  }
0x225: {  	_ =	sdelay $0x1  }
0x226: {  	[sflag:s29] =	ssyncset.done $0x0  }
0x227: {  	[sflag:s29] =	ssyncadd.s32 $0xFFFFF600  }
0x228: {  	_ =	sfence.sel $0x180000  }
0x229: {  	[bflag:$0x0] =	sbarrier.arrive $0xFFFF  }
0x22a: {  	_ =	strace $0x90000047  }
0x22b: {  	s0 =	stileid.u32;
	[bflag:$0x2] =	sbarrier.arrive $0xFFFF  }
0x22c: {  	p0 =	sne.s32 s0, $0x0;
	s0 =	rddreg [dreg:$0xe]  }
0x22d: {  	s0 =	sadd.s32 @!p0 $0x100000, s0  }
0x22e: {  	[sflag:s0] =	ssyncadd.tile.s32 @!p0 $0x1;
	_ =	shalt  }
.Lfunc_end3:
_tile_overlayer_lowered:
.L_overlay_start_3:
0x22f: {  	(tag) =	ssettag $0x3  }
0x230: {  	s0 =	rddreg [dreg:$0x0];
	s2 =	stileid.u32  }
0x231: {  	s1 =	rddreg [dreg:$0x1];
	p0 =	sne.s32 s2, $0x0  }
0x232: {  	s3 =	rddreg [dreg:$0x2];
	[bflag:$0x3] =	sbarrier.arrive $0xFFFF;
	s2 =	simm.s32 @!p0 $0x1C04  }
0x233: {  	[timem:s3], [sflag:s2] =	dma.local @!p0 [hbm:s0], s1  }
0x234: {  	s0 =	simm.s32 @!p0 $0x4  }
0x235: {  	_ =	swait.ge @!p0 [sflag:s0], s1  }
0x236: {  	s1 =	ssub.s32 @!p0 $0x0, s1;
	[sflag:s0] =	ssyncset.done @!p0 $0x0  }
0x237: {  	[sflag:s0] =	ssyncadd.s32 @!p0 s1  }
0x238: {  	[bflag:$0x3] =	sbarrier.arrive $0xFFFF  }
0x239: {  	_ =	shalt  }

</sc_bundles>
